<compile_context>
chip_gen: v7x
topology: tpu7x:2x2x1
jax: 0.10.2.dev20260603
libtpu: 0.0.44.dev20260713+nightly
codegen_flags: <defaults>
</compile_context>

<pallas_src>
import functools

import jax
import jax.numpy as jnp
from jax import lax
from jax.experimental import pallas as pl
from jax.experimental.pallas import tpu as pltpu
from jax.experimental.pallas import tpu_sc as plsc

NC = 2
NS = 16
NW = NC * NS

CHUNK = 125
IBLK = 8
DEG_W = 128


def _sc_aggregate(x, idx_r, zeros, *, n_pad, n_iter):
  in_ch = x.shape[1]
  rows_per_sub = n_pad // NS
  n_outer = n_iter // IBLK

  mesh = plsc.VectorSubcoreMesh(core_axis_name="c", subcore_axis_name="s")

  @functools.partial(
      pl.kernel,
      out_type=(
          jax.ShapeDtypeStruct((NC, n_pad, in_ch), jnp.float32),
          jax.ShapeDtypeStruct((NW * n_pad,), jnp.float32),
      ),
      mesh=mesh,
      compiler_params=pltpu.CompilerParams(needs_layout_passes=False),
      scratch_types=[
          pltpu.VMEM_SHARED((n_pad, in_ch), jnp.float32),
          pltpu.VMEM((2 * IBLK, CHUNK), jnp.int32),
          pltpu.VMEM((CHUNK, in_ch), jnp.float32),
          pltpu.VMEM((CHUNK, in_ch), jnp.float32),
          pltpu.VMEM((n_pad,), jnp.float32),
          pltpu.SemaphoreType.DMA,
          pltpu.SemaphoreType.DMA,
          pltpu.SemaphoreType.DMA,
          pltpu.SemaphoreType.DMA,
      ],
  )
  def agg_kernel(x_hbm, idx_hbm, zeros_hbm, out_hbm, deg_hbm,
                 acc, idx_v, rows_a, rows_b, deg_v, sem_a, sem_b,
                 ssem_a, ssem_b):
    c = lax.axis_index("c")
    s = lax.axis_index("s")
    wid = c * NS + s

    pltpu.sync_copy(zeros_hbm, acc.at[pl.ds(s * rows_per_sub, rows_per_sub)])

    zero16 = jnp.zeros((16,), jnp.float32)

    def zstep(i, carry):
      deg_v[pl.ds(i * 16, 16)] = zero16
      return carry

    lax.fori_loop(0, n_pad // 16, zstep, 0)
    plsc.subcore_barrier()

    one16 = jnp.ones((16,), jnp.float32)

    def scatter_deg(i):
      for j in range(CHUNK // 16):
        idx = idx_v[IBLK + i, pl.ds(j * 16, 16)]
        plsc.addupdate_scatter(deg_v, [idx], one16)
      rem = CHUNK % 16
      if rem:
        idx = idx_v[IBLK + i, pl.ds(CHUNK - 16, 16)]
        mask = lax.iota(jnp.int32, 16) >= (16 - rem)
        plsc.addupdate_scatter(deg_v, [idx], one16, mask=mask)

    bufs = [(rows_a, sem_a, ssem_a), (rows_b, sem_b, ssem_b)]

    def outer(o, carry):
      pltpu.sync_copy(idx_hbm.at[wid, o], idx_v)

      gd = [None] * IBLK
      sd = [None] * IBLK
      rv0, gs0, _ = bufs[0]
      rv1, gs1, _ = bufs[1]
      gd[0] = pltpu.async_copy(x_hbm.at[idx_v.at[0]], rv0, gs0)
      gd[1] = pltpu.async_copy(x_hbm.at[idx_v.at[1]], rv1, gs1)
      for i in range(IBLK):
        rv, gs, ss = bufs[i % 2]
        gd[i].wait()
        sd[i] = pltpu.async_copy(rv, acc.at[idx_v.at[IBLK + i]], ss,
                                 add=True)
        scatter_deg(i)
        if i + 2 < IBLK:
          sd[i].wait()
          gd[i + 2] = pltpu.async_copy(x_hbm.at[idx_v.at[i + 2]], rv, gs)
      sd[IBLK - 2].wait()
      sd[IBLK - 1].wait()
      return carry

    lax.fori_loop(0, n_outer, outer, 0)
    plsc.subcore_barrier()

    row0 = s * rows_per_sub
    pltpu.sync_copy(acc.at[pl.ds(row0, rows_per_sub)],
                    out_hbm.at[c, pl.ds(row0, rows_per_sub)])
    pltpu.sync_copy(deg_v, deg_hbm.at[pl.ds(wid * n_pad, n_pad)])

  return agg_kernel(x, idx_r, zeros)


def _tc_combine_kernel(p0_ref, p1_ref, d_ref, x_ref, wl_ref, wr_ref,
                       b_ref, o_ref):
  ssum = p0_ref[0] + p1_ref[0]
  deg = jnp.sum(d_ref[...], axis=1, keepdims=True)
  mean = ssum / jnp.maximum(deg, 1.0)
  acc = jnp.dot(mean, wl_ref[...], preferred_element_type=jnp.float32)
  acc = acc + jnp.dot(x_ref[...], wr_ref[...],
                      preferred_element_type=jnp.float32)
  o_ref[...] = acc + b_ref[...]


def kernel(x, edge_index, W_l, W_r, b):
  n_nodes, in_ch = x.shape
  n_edges = edge_index.shape[1]
  hid_ch = W_l.shape[0]
  assert in_ch == 128 and hid_ch == 128
  assert n_edges % (NW * CHUNK * IBLK) == 0
  n_iter = n_edges // (NW * CHUNK)
  n_pad = ((n_nodes + 8 * NS - 1) // (8 * NS)) * (8 * NS)
  while n_pad % DEG_W:
    n_pad += 8 * NS

  x = x.astype(jnp.float32)
  ei = edge_index.astype(jnp.int32)
  idx_r = ei.reshape(2, NW, n_iter // IBLK, IBLK, CHUNK).transpose(
      1, 2, 0, 3, 4).reshape(NW, n_iter // IBLK, 2 * IBLK, CHUNK)
  zeros = jnp.zeros((n_pad // NS, in_ch), jnp.float32)

  partial, deg = _sc_aggregate(x, idx_r, zeros,
                               n_pad=n_pad, n_iter=n_iter)
  deg = deg.reshape(NW, n_pad)[:, :n_nodes].T

  blk = 1000
  grid = (n_nodes // blk,)
  out = pl.pallas_call(
      _tc_combine_kernel,
      grid=grid,
      in_specs=[
          pl.BlockSpec((1, blk, in_ch), lambda i: (0, i, 0)),
          pl.BlockSpec((1, blk, in_ch), lambda i: (1, i, 0)),
          pl.BlockSpec((blk, NW), lambda i: (i, 0)),
          pl.BlockSpec((blk, in_ch), lambda i: (i, 0)),
          pl.BlockSpec((in_ch, hid_ch), lambda i: (0, 0)),
          pl.BlockSpec((in_ch, hid_ch), lambda i: (0, 0)),
          pl.BlockSpec((1, hid_ch), lambda i: (0, 0)),
      ],
      out_specs=pl.BlockSpec((blk, hid_ch), lambda i: (i, 0)),
      out_shape=jax.ShapeDtypeStruct((n_nodes, hid_ch), jnp.float32),
  )(partial, partial, deg, x, W_l.T, W_r.T, b.reshape(1, hid_ch))
  return out

# --- scband reference (transcript-rebuilt; emitter-appended) ---
"""Pipeline reference for scband-simple-graph-sage-63367947485322 (READ-ONLY COPY).

The authoritative reference and input builder live on the scoring server;
editing this copy changes nothing except your own understanding.
"""

import jax, jax.numpy as jnp
import numpy as np

N_NODES = 10000
N_EDGES = 320000
IN_CH = 128
HID_CH = 128

def setup_inputs(seed: int = 0) -> dict:
    key = jax.random.key(seed)
    k1, k2, k3, k4, k5 = jax.random.split(key, 5)
    x = jax.random.normal(k1, (N_NODES, IN_CH), dtype=jnp.float32)
    edge_index = jax.random.randint(k2, (2, N_EDGES), 0, N_NODES, dtype=jnp.int64)
    # SAGEConv parameters: lin_l applied to aggregated neighbors, lin_r applied to root (self) features
    scale = 1.0 / np.sqrt(IN_CH)
    W_l = jax.random.uniform(k3, (HID_CH, IN_CH), dtype=jnp.float32, minval=-scale, maxval=scale)
    W_r = jax.random.uniform(k4, (HID_CH, IN_CH), dtype=jnp.float32, minval=-scale, maxval=scale)
    b = jax.random.uniform(k5, (HID_CH,), dtype=jnp.float32, minval=-scale, maxval=scale)
    return {"x": x, "edge_index": edge_index, "W_l": W_l, "W_r": W_r, "b": b}

def reference(x, edge_index, W_l, W_r, b):
    # SAGEConv with mean aggregation (PyG default):
    # out = lin_l(mean_{j in N(i)} x_j) + lin_r(x_i)
    src = edge_index[0]
    dst = edge_index[1]
    messages = jnp.take(x, src, axis=0)                      # gather: [E, in_ch]
    agg_sum = jax.ops.segment_sum(messages, dst, num_segments=N_NODES)  # scatter-add
    deg = jax.ops.segment_sum(jnp.ones((N_EDGES,), dtype=x.dtype), dst, num_segments=N_NODES)
    deg = jnp.clip(deg, 1.0, None)
    agg_mean = agg_sum / deg[:, None]
    out = agg_mean @ W_l.T + x @ W_r.T + b
    return out

if __name__ == "__main__":
    import jax
    _d = setup_inputs()
    print(jax.jit(kernel)(*tuple(_d.values())))

</pallas_src>

<mosaic_0001>
#map = affine_map<(d0, d1) -> (0, 0)>
#map1 = affine_map<(d0, d1) -> (0, 0, 0, 0)>
#map2 = affine_map<(d0, d1) -> (0, 0, 0)>
#map3 = affine_map<(d0, d1) -> (0)>
module attributes {stable_mosaic.version = 14 : i64} {
  func.func @agg_kernel(%arg0: i32, %arg1: i32, %arg2: memref<10000x128xf32, #tpu.memory_space<hbm>>, %arg3: memref<32x10x16x125xi32, #tpu.memory_space<hbm>>, %arg4: memref<632x128xf32, #tpu.memory_space<hbm>>, %arg5: memref<2x10112x128xf32, #tpu.memory_space<hbm>>, %arg6: memref<323584xf32, #tpu.memory_space<hbm>>, %arg7: memref<10112x128xf32, #tpu.memory_space<vmem_shared>>, %arg8: memref<16x125xi32, #tpu.memory_space<vmem>>, %arg9: memref<125x128xf32, #tpu.memory_space<vmem>>, %arg10: memref<125x128xf32, #tpu.memory_space<vmem>>, %arg11: memref<10112xf32, #tpu.memory_space<vmem>>, %arg12: memref<!tpu.dma_semaphore, #tpu.memory_space<semaphore_mem>>, %arg13: memref<!tpu.dma_semaphore, #tpu.memory_space<semaphore_mem>>, %arg14: memref<!tpu.dma_semaphore, #tpu.memory_space<semaphore_mem>>, %arg15: memref<!tpu.dma_semaphore, #tpu.memory_space<semaphore_mem>>) attributes {dimension_semantics = [#tpu.dimension_semantics<core_parallel>, #tpu.dimension_semantics<subcore_parallel>], iteration_bounds = array<i64: 2, 16>, scalar_prefetch = 0 : i64, scratch_operands = 9 : i64, tpu.core_type = #tpu.core_type<sc_vector_subcore>, window_params = [{transform_indices = #map}, {transform_indices = #map1}, {transform_indices = #map}, {transform_indices = #map2}, {transform_indices = #map3}]} {
    %mul3A = arith.constant 16 : i32
    %mul3A_0 = arith.muli %arg0, %mul3A : i32
    %add3A = arith.addi %mul3A_0, %arg1 : i32
    %mul3A_1 = arith.constant 632 : i32
    %mul3A_2 = arith.muli %arg1, %mul3A_1 : i32
    "tpu.region"() ({
      %run_scoped3A = tpu.sem_alloc : memref<!tpu.dma_semaphore, #tpu.memory_space<semaphore_mem>>
      %dma_start3A = arith.constant 0 : i32
      %dma_start3A_22 = tpu.memref_slice %arg7[%mul3A_2, %dma_start3A] : memref<10112x128xf32, #tpu.memory_space<vmem_shared>> -> memref<632x128xf32, #tpu.memory_space<vmem_shared>>
      tpu.enqueue_dma source(%arg4 : memref<632x128xf32, #tpu.memory_space<hbm>>) target(%dma_start3A_22 : memref<632x128xf32, #tpu.memory_space<vmem_shared>>) target_semaphore(%run_scoped3A : memref<!tpu.dma_semaphore, #tpu.memory_space<semaphore_mem>>)
      %dma_wait3A = arith.constant 0 : i32
      %dma_wait3A_23 = tpu.memref_slice %arg7[%mul3A_2, %dma_wait3A] : memref<10112x128xf32, #tpu.memory_space<vmem_shared>> -> memref<632x128xf32, #tpu.memory_space<vmem_shared>>
      tpu.wait_dma2 semaphore(%run_scoped3A : memref<!tpu.dma_semaphore, #tpu.memory_space<semaphore_mem>>) src(%arg4 : memref<632x128xf32, #tpu.memory_space<hbm>>) dst(%dma_wait3A_23 : memref<632x128xf32, #tpu.memory_space<vmem_shared>>)
      tpu.yield
    }) : () -> ()
    %broadcast_in_dim3A = arith.constant 0.000000e+00 : f32
    %broadcast_in_dim3A_3 = vector.broadcast %broadcast_in_dim3A : f32 to vector<16xf32>
    %scan3A = arith.constant 0 : i32
    %scan3A_4 = arith.constant 0 : i32
    %scan3A_5 = arith.constant 632 : i32
    %scan3A_6 = arith.addi %scan3A_4, %scan3A_5 : i32
    %scan3A_7 = arith.constant 1 : i32
    scf.for %scan3A_22 = %scan3A_4 to %scan3A_6 step %scan3A_7  : i32 {
      %mul3A_23 = arith.constant 16 : i32
      %mul3A_24 = arith.muli %scan3A_22, %mul3A_23 : i32
      %swap3A = arith.index_cast %mul3A_24 : i32 to index
      %swap3A_25 = tpu.vector_load %arg11[%swap3A] {strides = array<i32>} : memref<10112xf32, #tpu.memory_space<vmem>>, vector<16xf32>,
      tpu.vector_store %arg11[%swap3A], %broadcast_in_dim3A_3 {strides = array<i32>} : memref<10112xf32, #tpu.memory_space<vmem>>, vector<16xf32>,
    }
    %scan3A_8 = arith.constant 632 : i32
    %barrier3A = arith.constant 0 : index
    tpu.barrier barrier_id(%barrier3A)
    %broadcast_in_dim3A_9 = arith.constant 1.000000e+00 : f32
    %broadcast_in_dim3A_10 = vector.broadcast %broadcast_in_dim3A_9 : f32 to vector<16xf32>
    %scan3A_11 = arith.constant 0 : i32
    %scan3A_12 = arith.constant 0 : i32
    %scan3A_13 = arith.constant 10 : i32
    %scan3A_14 = arith.addi %scan3A_12, %scan3A_13 : i32
    %scan3A_15 = arith.constant 1 : i32
    scf.for %scan3A_22 = %scan3A_12 to %scan3A_14 step %scan3A_15  : i32 {
      "tpu.region"() ({
        %run_scoped3A = tpu.sem_alloc : memref<!tpu.dma_semaphore, #tpu.memory_space<semaphore_mem>>
        %dma_start3A_530 = arith.constant 0 : i32
        %dma_start3A_531 = arith.constant 0 : i32
        %dma_start3A_532 = tpu.memref_slice %arg3[%add3A, %scan3A_22, %dma_start3A_530, %dma_start3A_531] : memref<32x10x16x125xi32, #tpu.memory_space<hbm>> -> memref<1x1x16x125xi32, #tpu.memory_space<hbm>>
        %dma_start3A_533 = tpu.memref_squeeze %dma_start3A_532 : memref<1x1x16x125xi32, #tpu.memory_space<hbm>> -> memref<16x125xi32, #tpu.memory_space<hbm>>
        %dma_start3A_534 = arith.constant 0 : i32
        %dma_start3A_535 = arith.constant 0 : i32
        %dma_start3A_536 = tpu.memref_slice %arg3[%add3A, %scan3A_22, %dma_start3A_534, %dma_start3A_535] : memref<32x10x16x125xi32, #tpu.memory_space<hbm>> -> memref<1x1x16x125xi32, #tpu.memory_space<hbm>>
        %dma_start3A_537 = tpu.memref_squeeze %dma_start3A_536 : memref<1x1x16x125xi32, #tpu.memory_space<hbm>> -> memref<16x125xi32, #tpu.memory_space<hbm>>
        tpu.enqueue_dma source(%dma_start3A_537 : memref<16x125xi32, #tpu.memory_space<hbm>>) target(%arg8 : memref<16x125xi32, #tpu.memory_space<vmem>>) target_semaphore(%run_scoped3A : memref<!tpu.dma_semaphore, #tpu.memory_space<semaphore_mem>>)
        %dma_wait3A_538 = arith.constant 0 : i32
        %dma_wait3A_539 = arith.constant 0 : i32
        %dma_wait3A_540 = tpu.memref_slice %arg3[%add3A, %scan3A_22, %dma_wait3A_538, %dma_wait3A_539] : memref<32x10x16x125xi32, #tpu.memory_space<hbm>> -> memref<1x1x16x125xi32, #tpu.memory_space<hbm>>
        %dma_wait3A_541 = tpu.memref_squeeze %dma_wait3A_540 : memref<1x1x16x125xi32, #tpu.memory_space<hbm>> -> memref<16x125xi32, #tpu.memory_space<hbm>>
        %dma_wait3A_542 = arith.constant 0 : i32
        %dma_wait3A_543 = arith.constant 0 : i32
        %dma_wait3A_544 = tpu.memref_slice %arg3[%add3A, %scan3A_22, %dma_wait3A_542, %dma_wait3A_543] : memref<32x10x16x125xi32, #tpu.memory_space<hbm>> -> memref<1x1x16x125xi32, #tpu.memory_space<hbm>>
        %dma_wait3A_545 = tpu.memref_squeeze %dma_wait3A_544 : memref<1x1x16x125xi32, #tpu.memory_space<hbm>> -> memref<16x125xi32, #tpu.memory_space<hbm>>
        tpu.wait_dma2 semaphore(%run_scoped3A : memref<!tpu.dma_semaphore, #tpu.memory_space<semaphore_mem>>) src(%dma_wait3A_545 : memref<16x125xi32, #tpu.memory_space<hbm>>) dst(%arg8 : memref<16x125xi32, #tpu.memory_space<vmem>>)
        tpu.yield
      }) : () -> ()
      %dma_start3A = arith.constant 0 : i32
      %dma_start3A_23 = arith.constant 0 : i32
      %dma_start3A_24 = tpu.memref_slice %arg8[%dma_start3A, %dma_start3A_23] : memref<16x125xi32, #tpu.memory_space<vmem>> -> memref<1x125xi32, #tpu.memory_space<vmem>>
      %dma_start3A_25 = tpu.memref_squeeze %dma_start3A_24 : memref<1x125xi32, #tpu.memory_space<vmem>> -> memref<125xi32, #tpu.memory_space<vmem>>
      %dma_start3A_26 = arith.constant 0 : i32
      %dma_start3A_27 = arith.constant 0 : i32
      %dma_start3A_28 = tpu.memref_slice %arg2[%dma_start3A_26, %dma_start3A_27] : memref<10000x128xf32, #tpu.memory_space<hbm>> -> memref<10000x128xf32, #tpu.memory_space<hbm>>
      tpu.enqueue_indirect_dma source(%dma_start3A_28 : memref<10000x128xf32, #tpu.memory_space<hbm>>) target(%arg9 : memref<125x128xf32, #tpu.memory_space<vmem>>) offsets(%dma_start3A_25 : memref<125xi32, #tpu.memory_space<vmem>>) semaphore(%arg12 : memref<!tpu.dma_semaphore, #tpu.memory_space<semaphore_mem>>)
      %dma_start3A_29 = arith.constant 1 : i32
      %dma_start3A_30 = arith.constant 0 : i32
      %dma_start3A_31 = tpu.memref_slice %arg8[%dma_start3A_29, %dma_start3A_30] : memref<16x125xi32, #tpu.memory_space<vmem>> -> memref<1x125xi32, #tpu.memory_space<vmem>>
      %dma_start3A_32 = tpu.memref_squeeze %dma_start3A_31 : memref<1x125xi32, #tpu.memory_space<vmem>> -> memref<125xi32, #tpu.memory_space<vmem>>
      %dma_start3A_33 = arith.constant 0 : i32
      %dma_start3A_34 = arith.constant 0 : i32
      %dma_start3A_35 = tpu.memref_slice %arg2[%dma_start3A_33, %dma_start3A_34] : memref<10000x128xf32, #tpu.memory_space<hbm>> -> memref<10000x128xf32, #tpu.memory_space<hbm>>
      tpu.enqueue_indirect_dma source(%dma_start3A_35 : memref<10000x128xf32, #tpu.memory_space<hbm>>) target(%arg10 : memref<125x128xf32, #tpu.memory_space<vmem>>) offsets(%dma_start3A_32 : memref<125xi32, #tpu.memory_space<vmem>>) semaphore(%arg13 : memref<!tpu.dma_semaphore, #tpu.memory_space<semaphore_mem>>)
      %dma_wait3A = arith.constant 0 : i32
      %dma_wait3A_36 = arith.constant 0 : i32
      %dma_wait3A_37 = tpu.memref_slice %arg8[%dma_wait3A, %dma_wait3A_36] : memref<16x125xi32, #tpu.memory_space<vmem>> -> memref<1x125xi32, #tpu.memory_space<vmem>>
      %dma_wait3A_38 = tpu.memref_squeeze %dma_wait3A_37 : memref<1x125xi32, #tpu.memory_space<vmem>> -> memref<125xi32, #tpu.memory_space<vmem>>
      %dma_wait3A_39 = arith.constant 0 : i32
      %dma_wait3A_40 = arith.constant 0 : i32
      %dma_wait3A_41 = tpu.memref_slice %arg2[%dma_wait3A_39, %dma_wait3A_40] : memref<10000x128xf32, #tpu.memory_space<hbm>> -> memref<10000x128xf32, #tpu.memory_space<hbm>>
      tpu.wait_indirect_dma semaphore(%arg12 : memref<!tpu.dma_semaphore, #tpu.memory_space<semaphore_mem>>) src(%dma_wait3A_41 : memref<10000x128xf32, #tpu.memory_space<hbm>>) dst(%arg9 : memref<125x128xf32, #tpu.memory_space<vmem>>)
      %dma_start3A_42 = arith.constant 8 : i32
      %dma_start3A_43 = arith.constant 0 : i32
      %dma_start3A_44 = tpu.memref_slice %arg8[%dma_start3A_42, %dma_start3A_43] : memref<16x125xi32, #tpu.memory_space<vmem>> -> memref<1x125xi32, #tpu.memory_space<vmem>>
      %dma_start3A_45 = tpu.memref_squeeze %dma_start3A_44 : memref<1x125xi32, #tpu.memory_space<vmem>> -> memref<125xi32, #tpu.memory_space<vmem>>
      %dma_start3A_46 = arith.constant 0 : i32
      %dma_start3A_47 = arith.constant 0 : i32
      %dma_start3A_48 = tpu.memref_slice %arg7[%dma_start3A_46, %dma_start3A_47] : memref<10112x128xf32, #tpu.memory_space<vmem_shared>> -> memref<10112x128xf32, #tpu.memory_space<vmem_shared>>
      tpu.enqueue_indirect_dma source(%arg9 : memref<125x128xf32, #tpu.memory_space<vmem>>) target(%dma_start3A_48 : memref<10112x128xf32, #tpu.memory_space<vmem_shared>>) offsets(%dma_start3A_45 : memref<125xi32, #tpu.memory_space<vmem>>) semaphore(%arg14 : memref<!tpu.dma_semaphore, #tpu.memory_space<semaphore_mem>>) {add = true}
      %get3A = arith.constant 8 : i32
      %get3A_49 = arith.index_cast %get3A : i32 to index
      %get3A_50 = arith.constant 0 : index
      %get3A_51 = tpu.vector_load %arg8[%get3A_49, %get3A_50] {strides = array<i32>} : memref<16x125xi32, #tpu.memory_space<vmem>>, vector<16xi32>,
      tpu.vector_store_idx %arg11[%get3A_51], %broadcast_in_dim3A_10 {add = true} : memref<10112xf32, #tpu.memory_space<vmem>>[vector<16xi32>], vector<16xf32>,
      %get3A_52 = arith.constant 8 : i32
      %get3A_53 = arith.index_cast %get3A_52 : i32 to index
      %get3A_54 = arith.constant 16 : index
      %get3A_55 = tpu.vector_load %arg8[%get3A_53, %get3A_54] {strides = array<i32>} : memref<16x125xi32, #tpu.memory_space<vmem>>, vector<16xi32>,
      tpu.vector_store_idx %arg11[%get3A_55], %broadcast_in_dim3A_10 {add = true} : memref<10112xf32, #tpu.memory_space<vmem>>[vector<16xi32>], vector<16xf32>,
      %get3A_56 = arith.constant 8 : i32
      %get3A_57 = arith.index_cast %get3A_56 : i32 to index
      %get3A_58 = arith.constant 32 : index
      %get3A_59 = tpu.vector_load %arg8[%get3A_57, %get3A_58] {strides = array<i32>} : memref<16x125xi32, #tpu.memory_space<vmem>>, vector<16xi32>,
      tpu.vector_store_idx %arg11[%get3A_59], %broadcast_in_dim3A_10 {add = true} : memref<10112xf32, #tpu.memory_space<vmem>>[vector<16xi32>], vector<16xf32>,
      %get3A_60 = arith.constant 8 : i32
      %get3A_61 = arith.index_cast %get3A_60 : i32 to index
      %get3A_62 = arith.constant 48 : index
      %get3A_63 = tpu.vector_load %arg8[%get3A_61, %get3A_62] {strides = array<i32>} : memref<16x125xi32, #tpu.memory_space<vmem>>, vector<16xi32>,
      tpu.vector_store_idx %arg11[%get3A_63], %broadcast_in_dim3A_10 {add = true} : memref<10112xf32, #tpu.memory_space<vmem>>[vector<16xi32>], vector<16xf32>,
      %get3A_64 = arith.constant 8 : i32
      %get3A_65 = arith.index_cast %get3A_64 : i32 to index
      %get3A_66 = arith.constant 64 : index
      %get3A_67 = tpu.vector_load %arg8[%get3A_65, %get3A_66] {strides = array<i32>} : memref<16x125xi32, #tpu.memory_space<vmem>>, vector<16xi32>,
      tpu.vector_store_idx %arg11[%get3A_67], %broadcast_in_dim3A_10 {add = true} : memref<10112xf32, #tpu.memory_space<vmem>>[vector<16xi32>], vector<16xf32>,
      %get3A_68 = arith.constant 8 : i32
      %get3A_69 = arith.index_cast %get3A_68 : i32 to index
      %get3A_70 = arith.constant 80 : index
      %get3A_71 = tpu.vector_load %arg8[%get3A_69, %get3A_70] {strides = array<i32>} : memref<16x125xi32, #tpu.memory_space<vmem>>, vector<16xi32>,
      tpu.vector_store_idx %arg11[%get3A_71], %broadcast_in_dim3A_10 {add = true} : memref<10112xf32, #tpu.memory_space<vmem>>[vector<16xi32>], vector<16xf32>,
      %get3A_72 = arith.constant 8 : i32
      %get3A_73 = arith.index_cast %get3A_72 : i32 to index
      %get3A_74 = arith.constant 96 : index
      %get3A_75 = tpu.vector_load %arg8[%get3A_73, %get3A_74] {strides = array<i32>} : memref<16x125xi32, #tpu.memory_space<vmem>>, vector<16xi32>,
      tpu.vector_store_idx %arg11[%get3A_75], %broadcast_in_dim3A_10 {add = true} : memref<10112xf32, #tpu.memory_space<vmem>>[vector<16xi32>], vector<16xf32>,
      %get3A_76 = arith.constant 8 : i32
      %get3A_77 = arith.index_cast %get3A_76 : i32 to index
      %get3A_78 = arith.constant 109 : index
      %get3A_79 = tpu.vector_load %arg8[%get3A_77, %get3A_78] {strides = array<i32>} : memref<16x125xi32, #tpu.memory_space<vmem>>, vector<16xi32>,
      %iota3A = tpu.iota {dimensions = array<i32: 0>} : vector<16xi32>
      %ge3A = arith.constant 3 : i32
      %ge3A_80 = vector.broadcast %ge3A : i32 to vector<16xi32>
      %ge3A_81 = arith.cmpi sge, %iota3A, %ge3A_80 : vector<16xi32>
      tpu.vector_store_idx %arg11[%get3A_79], %broadcast_in_dim3A_10 masked %ge3A_81 {add = true} : memref<10112xf32, #tpu.memory_space<vmem>>[vector<16xi32>], vector<16xf32>, vector<16xi1>
      %dma_wait3A_82 = arith.constant 8 : i32
      %dma_wait3A_83 = arith.constant 0 : i32
      %dma_wait3A_84 = tpu.memref_slice %arg8[%dma_wait3A_82, %dma_wait3A_83] : memref<16x125xi32, #tpu.memory_space<vmem>> -> memref<1x125xi32, #tpu.memory_space<vmem>>
      %dma_wait3A_85 = tpu.memref_squeeze %dma_wait3A_84 : memref<1x125xi32, #tpu.memory_space<vmem>> -> memref<125xi32, #tpu.memory_space<vmem>>
      %dma_wait3A_86 = arith.constant 0 : i32
      %dma_wait3A_87 = arith.constant 0 : i32
      %dma_wait3A_88 = tpu.memref_slice %arg7[%dma_wait3A_86, %dma_wait3A_87] : memref<10112x128xf32, #tpu.memory_space<vmem_shared>> -> memref<10112x128xf32, #tpu.memory_space<vmem_shared>>
      tpu.wait_indirect_dma semaphore(%arg14 : memref<!tpu.dma_semaphore, #tpu.memory_space<semaphore_mem>>) src(%arg9 : memref<125x128xf32, #tpu.memory_space<vmem>>) dst(%dma_wait3A_88 : memref<10112x128xf32, #tpu.memory_space<vmem_shared>>)
      %dma_start3A_89 = arith.constant 2 : i32
      %dma_start3A_90 = arith.constant 0 : i32
      %dma_start3A_91 = tpu.memref_slice %arg8[%dma_start3A_89, %dma_start3A_90] : memref<16x125xi32, #tpu.memory_space<vmem>> -> memref<1x125xi32, #tpu.memory_space<vmem>>
      %dma_start3A_92 = tpu.memref_squeeze %dma_start3A_91 : memref<1x125xi32, #tpu.memory_space<vmem>> -> memref<125xi32, #tpu.memory_space<vmem>>
      %dma_start3A_93 = arith.constant 0 : i32
      %dma_start3A_94 = arith.constant 0 : i32
      %dma_start3A_95 = tpu.memref_slice %arg2[%dma_start3A_93, %dma_start3A_94] : memref<10000x128xf32, #tpu.memory_space<hbm>> -> memref<10000x128xf32, #tpu.memory_space<hbm>>
      tpu.enqueue_indirect_dma source(%dma_start3A_95 : memref<10000x128xf32, #tpu.memory_space<hbm>>) target(%arg9 : memref<125x128xf32, #tpu.memory_space<vmem>>) offsets(%dma_start3A_92 : memref<125xi32, #tpu.memory_space<vmem>>) semaphore(%arg12 : memref<!tpu.dma_semaphore, #tpu.memory_space<semaphore_mem>>)
      %dma_wait3A_96 = arith.constant 1 : i32
      %dma_wait3A_97 = arith.constant 0 : i32
      %dma_wait3A_98 = tpu.memref_slice %arg8[%dma_wait3A_96, %dma_wait3A_97] : memref<16x125xi32, #tpu.memory_space<vmem>> -> memref<1x125xi32, #tpu.memory_space<vmem>>
      %dma_wait3A_99 = tpu.memref_squeeze %dma_wait3A_98 : memref<1x125xi32, #tpu.memory_space<vmem>> -> memref<125xi32, #tpu.memory_space<vmem>>
      %dma_wait3A_100 = arith.constant 0 : i32
      %dma_wait3A_101 = arith.constant 0 : i32
      %dma_wait3A_102 = tpu.memref_slice %arg2[%dma_wait3A_100, %dma_wait3A_101] : memref<10000x128xf32, #tpu.memory_space<hbm>> -> memref<10000x128xf32, #tpu.memory_space<hbm>>
      tpu.wait_indirect_dma semaphore(%arg13 : memref<!tpu.dma_semaphore, #tpu.memory_space<semaphore_mem>>) src(%dma_wait3A_102 : memref<10000x128xf32, #tpu.memory_space<hbm>>) dst(%arg10 : memref<125x128xf32, #tpu.memory_space<vmem>>)
      %dma_start3A_103 = arith.constant 9 : i32
      %dma_start3A_104 = arith.constant 0 : i32
      %dma_start3A_105 = tpu.memref_slice %arg8[%dma_start3A_103, %dma_start3A_104] : memref<16x125xi32, #tpu.memory_space<vmem>> -> memref<1x125xi32, #tpu.memory_space<vmem>>
      %dma_start3A_106 = tpu.memref_squeeze %dma_start3A_105 : memref<1x125xi32, #tpu.memory_space<vmem>> -> memref<125xi32, #tpu.memory_space<vmem>>
      %dma_start3A_107 = arith.constant 0 : i32
      %dma_start3A_108 = arith.constant 0 : i32
      %dma_start3A_109 = tpu.memref_slice %arg7[%dma_start3A_107, %dma_start3A_108] : memref<10112x128xf32, #tpu.memory_space<vmem_shared>> -> memref<10112x128xf32, #tpu.memory_space<vmem_shared>>
      tpu.enqueue_indirect_dma source(%arg10 : memref<125x128xf32, #tpu.memory_space<vmem>>) target(%dma_start3A_109 : memref<10112x128xf32, #tpu.memory_space<vmem_shared>>) offsets(%dma_start3A_106 : memref<125xi32, #tpu.memory_space<vmem>>) semaphore(%arg15 : memref<!tpu.dma_semaphore, #tpu.memory_space<semaphore_mem>>) {add = true}
      %get3A_110 = arith.constant 9 : i32
      %get3A_111 = arith.index_cast %get3A_110 : i32 to index
      %get3A_112 = arith.constant 0 : index
      %get3A_113 = tpu.vector_load %arg8[%get3A_111, %get3A_112] {strides = array<i32>} : memref<16x125xi32, #tpu.memory_space<vmem>>, vector<16xi32>,
      tpu.vector_store_idx %arg11[%get3A_113], %broadcast_in_dim3A_10 {add = true} : memref<10112xf32, #tpu.memory_space<vmem>>[vector<16xi32>], vector<16xf32>,
      %get3A_114 = arith.constant 9 : i32
      %get3A_115 = arith.index_cast %get3A_114 : i32 to index
      %get3A_116 = arith.constant 16 : index
      %get3A_117 = tpu.vector_load %arg8[%get3A_115, %get3A_116] {strides = array<i32>} : memref<16x125xi32, #tpu.memory_space<vmem>>, vector<16xi32>,
      tpu.vector_store_idx %arg11[%get3A_117], %broadcast_in_dim3A_10 {add = true} : memref<10112xf32, #tpu.memory_space<vmem>>[vector<16xi32>], vector<16xf32>,
      %get3A_118 = arith.constant 9 : i32
      %get3A_119 = arith.index_cast %get3A_118 : i32 to index
      %get3A_120 = arith.constant 32 : index
      %get3A_121 = tpu.vector_load %arg8[%get3A_119, %get3A_120] {strides = array<i32>} : memref<16x125xi32, #tpu.memory_space<vmem>>, vector<16xi32>,
      tpu.vector_store_idx %arg11[%get3A_121], %broadcast_in_dim3A_10 {add = true} : memref<10112xf32, #tpu.memory_space<vmem>>[vector<16xi32>], vector<16xf32>,
      %get3A_122 = arith.constant 9 : i32
      %get3A_123 = arith.index_cast %get3A_122 : i32 to index
      %get3A_124 = arith.constant 48 : index
      %get3A_125 = tpu.vector_load %arg8[%get3A_123, %get3A_124] {strides = array<i32>} : memref<16x125xi32, #tpu.memory_space<vmem>>, vector<16xi32>,
      tpu.vector_store_idx %arg11[%get3A_125], %broadcast_in_dim3A_10 {add = true} : memref<10112xf32, #tpu.memory_space<vmem>>[vector<16xi32>], vector<16xf32>,
      %get3A_126 = arith.constant 9 : i32
      %get3A_127 = arith.index_cast %get3A_126 : i32 to index
      %get3A_128 = arith.constant 64 : index
      %get3A_129 = tpu.vector_load %arg8[%get3A_127, %get3A_128] {strides = array<i32>} : memref<16x125xi32, #tpu.memory_space<vmem>>, vector<16xi32>,
      tpu.vector_store_idx %arg11[%get3A_129], %broadcast_in_dim3A_10 {add = true} : memref<10112xf32, #tpu.memory_space<vmem>>[vector<16xi32>], vector<16xf32>,
      %get3A_130 = arith.constant 9 : i32
      %get3A_131 = arith.index_cast %get3A_130 : i32 to index
      %get3A_132 = arith.constant 80 : index
      %get3A_133 = tpu.vector_load %arg8[%get3A_131, %get3A_132] {strides = array<i32>} : memref<16x125xi32, #tpu.memory_space<vmem>>, vector<16xi32>,
      tpu.vector_store_idx %arg11[%get3A_133], %broadcast_in_dim3A_10 {add = true} : memref<10112xf32, #tpu.memory_space<vmem>>[vector<16xi32>], vector<16xf32>,
      %get3A_134 = arith.constant 9 : i32
      %get3A_135 = arith.index_cast %get3A_134 : i32 to index
      %get3A_136 = arith.constant 96 : index
      %get3A_137 = tpu.vector_load %arg8[%get3A_135, %get3A_136] {strides = array<i32>} : memref<16x125xi32, #tpu.memory_space<vmem>>, vector<16xi32>,
      tpu.vector_store_idx %arg11[%get3A_137], %broadcast_in_dim3A_10 {add = true} : memref<10112xf32, #tpu.memory_space<vmem>>[vector<16xi32>], vector<16xf32>,
      %get3A_138 = arith.constant 9 : i32
      %get3A_139 = arith.index_cast %get3A_138 : i32 to index
      %get3A_140 = arith.constant 109 : index
      %get3A_141 = tpu.vector_load %arg8[%get3A_139, %get3A_140] {strides = array<i32>} : memref<16x125xi32, #tpu.memory_space<vmem>>, vector<16xi32>,
      %iota3A_142 = tpu.iota {dimensions = array<i32: 0>} : vector<16xi32>
      %ge3A_143 = arith.constant 3 : i32
      %ge3A_144 = vector.broadcast %ge3A_143 : i32 to vector<16xi32>
      %ge3A_145 = arith.cmpi sge, %iota3A_142, %ge3A_144 : vector<16xi32>
      tpu.vector_store_idx %arg11[%get3A_141], %broadcast_in_dim3A_10 masked %ge3A_145 {add = true} : memref<10112xf32, #tpu.memory_space<vmem>>[vector<16xi32>], vector<16xf32>, vector<16xi1>
      %dma_wait3A_146 = arith.constant 9 : i32
      %dma_wait3A_147 = arith.constant 0 : i32
      %dma_wait3A_148 = tpu.memref_slice %arg8[%dma_wait3A_146, %dma_wait3A_147] : memref<16x125xi32, #tpu.memory_space<vmem>> -> memref<1x125xi32, #tpu.memory_space<vmem>>
      %dma_wait3A_149 = tpu.memref_squeeze %dma_wait3A_148 : memref<1x125xi32, #tpu.memory_space<vmem>> -> memref<125xi32, #tpu.memory_space<vmem>>
      %dma_wait3A_150 = arith.constant 0 : i32
      %dma_wait3A_151 = arith.constant 0 : i32
      %dma_wait3A_152 = tpu.memref_slice %arg7[%dma_wait3A_150, %dma_wait3A_151] : memref<10112x128xf32, #tpu.memory_space<vmem_shared>> -> memref<10112x128xf32, #tpu.memory_space<vmem_shared>>
      tpu.wait_indirect_dma semaphore(%arg15 : memref<!tpu.dma_semaphore, #tpu.memory_space<semaphore_mem>>) src(%arg10 : memref<125x128xf32, #tpu.memory_space<vmem>>) dst(%dma_wait3A_152 : memref<10112x128xf32, #tpu.memory_space<vmem_shared>>)
      %dma_start3A_153 = arith.constant 3 : i32
      %dma_start3A_154 = arith.constant 0 : i32
      %dma_start3A_155 = tpu.memref_slice %arg8[%dma_start3A_153, %dma_start3A_154] : memref<16x125xi32, #tpu.memory_space<vmem>> -> memref<1x125xi32, #tpu.memory_space<vmem>>
      %dma_start3A_156 = tpu.memref_squeeze %dma_start3A_155 : memref<1x125xi32, #tpu.memory_space<vmem>> -> memref<125xi32, #tpu.memory_space<vmem>>
      %dma_start3A_157 = arith.constant 0 : i32
      %dma_start3A_158 = arith.constant 0 : i32
      %dma_start3A_159 = tpu.memref_slice %arg2[%dma_start3A_157, %dma_start3A_158] : memref<10000x128xf32, #tpu.memory_space<hbm>> -> memref<10000x128xf32, #tpu.memory_space<hbm>>
      tpu.enqueue_indirect_dma source(%dma_start3A_159 : memref<10000x128xf32, #tpu.memory_space<hbm>>) target(%arg10 : memref<125x128xf32, #tpu.memory_space<vmem>>) offsets(%dma_start3A_156 : memref<125xi32, #tpu.memory_space<vmem>>) semaphore(%arg13 : memref<!tpu.dma_semaphore, #tpu.memory_space<semaphore_mem>>)
      %dma_wait3A_160 = arith.constant 2 : i32
      %dma_wait3A_161 = arith.constant 0 : i32
      %dma_wait3A_162 = tpu.memref_slice %arg8[%dma_wait3A_160, %dma_wait3A_161] : memref<16x125xi32, #tpu.memory_space<vmem>> -> memref<1x125xi32, #tpu.memory_space<vmem>>
      %dma_wait3A_163 = tpu.memref_squeeze %dma_wait3A_162 : memref<1x125xi32, #tpu.memory_space<vmem>> -> memref<125xi32, #tpu.memory_space<vmem>>
      %dma_wait3A_164 = arith.constant 0 : i32
      %dma_wait3A_165 = arith.constant 0 : i32
      %dma_wait3A_166 = tpu.memref_slice %arg2[%dma_wait3A_164, %dma_wait3A_165] : memref<10000x128xf32, #tpu.memory_space<hbm>> -> memref<10000x128xf32, #tpu.memory_space<hbm>>
      tpu.wait_indirect_dma semaphore(%arg12 : memref<!tpu.dma_semaphore, #tpu.memory_space<semaphore_mem>>) src(%dma_wait3A_166 : memref<10000x128xf32, #tpu.memory_space<hbm>>) dst(%arg9 : memref<125x128xf32, #tpu.memory_space<vmem>>)
      %dma_start3A_167 = arith.constant 10 : i32
      %dma_start3A_168 = arith.constant 0 : i32
      %dma_start3A_169 = tpu.memref_slice %arg8[%dma_start3A_167, %dma_start3A_168] : memref<16x125xi32, #tpu.memory_space<vmem>> -> memref<1x125xi32, #tpu.memory_space<vmem>>
      %dma_start3A_170 = tpu.memref_squeeze %dma_start3A_169 : memref<1x125xi32, #tpu.memory_space<vmem>> -> memref<125xi32, #tpu.memory_space<vmem>>
      %dma_start3A_171 = arith.constant 0 : i32
      %dma_start3A_172 = arith.constant 0 : i32
      %dma_start3A_173 = tpu.memref_slice %arg7[%dma_start3A_171, %dma_start3A_172] : memref<10112x128xf32, #tpu.memory_space<vmem_shared>> -> memref<10112x128xf32, #tpu.memory_space<vmem_shared>>
      tpu.enqueue_indirect_dma source(%arg9 : memref<125x128xf32, #tpu.memory_space<vmem>>) target(%dma_start3A_173 : memref<10112x128xf32, #tpu.memory_space<vmem_shared>>) offsets(%dma_start3A_170 : memref<125xi32, #tpu.memory_space<vmem>>) semaphore(%arg14 : memref<!tpu.dma_semaphore, #tpu.memory_space<semaphore_mem>>) {add = true}
      %get3A_174 = arith.constant 10 : i32
      %get3A_175 = arith.index_cast %get3A_174 : i32 to index
      %get3A_176 = arith.constant 0 : index
      %get3A_177 = tpu.vector_load %arg8[%get3A_175, %get3A_176] {strides = array<i32>} : memref<16x125xi32, #tpu.memory_space<vmem>>, vector<16xi32>,
      tpu.vector_store_idx %arg11[%get3A_177], %broadcast_in_dim3A_10 {add = true} : memref<10112xf32, #tpu.memory_space<vmem>>[vector<16xi32>], vector<16xf32>,
      %get3A_178 = arith.constant 10 : i32
      %get3A_179 = arith.index_cast %get3A_178 : i32 to index
      %get3A_180 = arith.constant 16 : index
      %get3A_181 = tpu.vector_load %arg8[%get3A_179, %get3A_180] {strides = array<i32>} : memref<16x125xi32, #tpu.memory_space<vmem>>, vector<16xi32>,
      tpu.vector_store_idx %arg11[%get3A_181], %broadcast_in_dim3A_10 {add = true} : memref<10112xf32, #tpu.memory_space<vmem>>[vector<16xi32>], vector<16xf32>,
      %get3A_182 = arith.constant 10 : i32
      %get3A_183 = arith.index_cast %get3A_182 : i32 to index
      %get3A_184 = arith.constant 32 : index
      %get3A_185 = tpu.vector_load %arg8[%get3A_183, %get3A_184] {strides = array<i32>} : memref<16x125xi32, #tpu.memory_space<vmem>>, vector<16xi32>,
      tpu.vector_store_idx %arg11[%get3A_185], %broadcast_in_dim3A_10 {add = true} : memref<10112xf32, #tpu.memory_space<vmem>>[vector<16xi32>], vector<16xf32>,
      %get3A_186 = arith.constant 10 : i32
      %get3A_187 = arith.index_cast %get3A_186 : i32 to index
      %get3A_188 = arith.constant 48 : index
      %get3A_189 = tpu.vector_load %arg8[%get3A_187, %get3A_188] {strides = array<i32>} : memref<16x125xi32, #tpu.memory_space<vmem>>, vector<16xi32>,
      tpu.vector_store_idx %arg11[%get3A_189], %broadcast_in_dim3A_10 {add = true} : memref<10112xf32, #tpu.memory_space<vmem>>[vector<16xi32>], vector<16xf32>,
      %get3A_190 = arith.constant 10 : i32
      %get3A_191 = arith.index_cast %get3A_190 : i32 to index
      %get3A_192 = arith.constant 64 : index
      %get3A_193 = tpu.vector_load %arg8[%get3A_191, %get3A_192] {strides = array<i32>} : memref<16x125xi32, #tpu.memory_space<vmem>>, vector<16xi32>,
      tpu.vector_store_idx %arg11[%get3A_193], %broadcast_in_dim3A_10 {add = true} : memref<10112xf32, #tpu.memory_space<vmem>>[vector<16xi32>], vector<16xf32>,
      %get3A_194 = arith.constant 10 : i32
      %get3A_195 = arith.index_cast %get3A_194 : i32 to index
      %get3A_196 = arith.constant 80 : index
      %get3A_197 = tpu.vector_load %arg8[%get3A_195, %get3A_196] {strides = array<i32>} : memref<16x125xi32, #tpu.memory_space<vmem>>, vector<16xi32>,
      tpu.vector_store_idx %arg11[%get3A_197], %broadcast_in_dim3A_10 {add = true} : memref<10112xf32, #tpu.memory_space<vmem>>[vector<16xi32>], vector<16xf32>,
      %get3A_198 = arith.constant 10 : i32
      %get3A_199 = arith.index_cast %get3A_198 : i32 to index
      %get3A_200 = arith.constant 96 : index
      %get3A_201 = tpu.vector_load %arg8[%get3A_199, %get3A_200] {strides = array<i32>} : memref<16x125xi32, #tpu.memory_space<vmem>>, vector<16xi32>,
      tpu.vector_store_idx %arg11[%get3A_201], %broadcast_in_dim3A_10 {add = true} : memref<10112xf32, #tpu.memory_space<vmem>>[vector<16xi32>], vector<16xf32>,
      %get3A_202 = arith.constant 10 : i32
      %get3A_203 = arith.index_cast %get3A_202 : i32 to index
      %get3A_204 = arith.constant 109 : index
      %get3A_205 = tpu.vector_load %arg8[%get3A_203, %get3A_204] {strides = array<i32>} : memref<16x125xi32, #tpu.memory_space<vmem>>, vector<16xi32>,
      %iota3A_206 = tpu.iota {dimensions = array<i32: 0>} : vector<16xi32>
      %ge3A_207 = arith.constant 3 : i32
      %ge3A_208 = vector.broadcast %ge3A_207 : i32 to vector<16xi32>
      %ge3A_209 = arith.cmpi sge, %iota3A_206, %ge3A_208 : vector<16xi32>
      tpu.vector_store_idx %arg11[%get3A_205], %broadcast_in_dim3A_10 masked %ge3A_209 {add = true} : memref<10112xf32, #tpu.memory_space<vmem>>[vector<16xi32>], vector<16xf32>, vector<16xi1>
      %dma_wait3A_210 = arith.constant 10 : i32
      %dma_wait3A_211 = arith.constant 0 : i32
      %dma_wait3A_212 = tpu.memref_slice %arg8[%dma_wait3A_210, %dma_wait3A_211] : memref<16x125xi32, #tpu.memory_space<vmem>> -> memref<1x125xi32, #tpu.memory_space<vmem>>
      %dma_wait3A_213 = tpu.memref_squeeze %dma_wait3A_212 : memref<1x125xi32, #tpu.memory_space<vmem>> -> memref<125xi32, #tpu.memory_space<vmem>>
      %dma_wait3A_214 = arith.constant 0 : i32
      %dma_wait3A_215 = arith.constant 0 : i32
      %dma_wait3A_216 = tpu.memref_slice %arg7[%dma_wait3A_214, %dma_wait3A_215] : memref<10112x128xf32, #tpu.memory_space<vmem_shared>> -> memref<10112x128xf32, #tpu.memory_space<vmem_shared>>
      tpu.wait_indirect_dma semaphore(%arg14 : memref<!tpu.dma_semaphore, #tpu.memory_space<semaphore_mem>>) src(%arg9 : memref<125x128xf32, #tpu.memory_space<vmem>>) dst(%dma_wait3A_216 : memref<10112x128xf32, #tpu.memory_space<vmem_shared>>)
      %dma_start3A_217 = arith.constant 4 : i32
      %dma_start3A_218 = arith.constant 0 : i32
      %dma_start3A_219 = tpu.memref_slice %arg8[%dma_start3A_217, %dma_start3A_218] : memref<16x125xi32, #tpu.memory_space<vmem>> -> memref<1x125xi32, #tpu.memory_space<vmem>>
      %dma_start3A_220 = tpu.memref_squeeze %dma_start3A_219 : memref<1x125xi32, #tpu.memory_space<vmem>> -> memref<125xi32, #tpu.memory_space<vmem>>
      %dma_start3A_221 = arith.constant 0 : i32
      %dma_start3A_222 = arith.constant 0 : i32
      %dma_start3A_223 = tpu.memref_slice %arg2[%dma_start3A_221, %dma_start3A_222] : memref<10000x128xf32, #tpu.memory_space<hbm>> -> memref<10000x128xf32, #tpu.memory_space<hbm>>
      tpu.enqueue_indirect_dma source(%dma_start3A_223 : memref<10000x128xf32, #tpu.memory_space<hbm>>) target(%arg9 : memref<125x128xf32, #tpu.memory_space<vmem>>) offsets(%dma_start3A_220 : memref<125xi32, #tpu.memory_space<vmem>>) semaphore(%arg12 : memref<!tpu.dma_semaphore, #tpu.memory_space<semaphore_mem>>)
      %dma_wait3A_224 = arith.constant 3 : i32
      %dma_wait3A_225 = arith.constant 0 : i32
      %dma_wait3A_226 = tpu.memref_slice %arg8[%dma_wait3A_224, %dma_wait3A_225] : memref<16x125xi32, #tpu.memory_space<vmem>> -> memref<1x125xi32, #tpu.memory_space<vmem>>
      %dma_wait3A_227 = tpu.memref_squeeze %dma_wait3A_226 : memref<1x125xi32, #tpu.memory_space<vmem>> -> memref<125xi32, #tpu.memory_space<vmem>>
      %dma_wait3A_228 = arith.constant 0 : i32
      %dma_wait3A_229 = arith.constant 0 : i32
      %dma_wait3A_230 = tpu.memref_slice %arg2[%dma_wait3A_228, %dma_wait3A_229] : memref<10000x128xf32, #tpu.memory_space<hbm>> -> memref<10000x128xf32, #tpu.memory_space<hbm>>
      tpu.wait_indirect_dma semaphore(%arg13 : memref<!tpu.dma_semaphore, #tpu.memory_space<semaphore_mem>>) src(%dma_wait3A_230 : memref<10000x128xf32, #tpu.memory_space<hbm>>) dst(%arg10 : memref<125x128xf32, #tpu.memory_space<vmem>>)
      %dma_start3A_231 = arith.constant 11 : i32
      %dma_start3A_232 = arith.constant 0 : i32
      %dma_start3A_233 = tpu.memref_slice %arg8[%dma_start3A_231, %dma_start3A_232] : memref<16x125xi32, #tpu.memory_space<vmem>> -> memref<1x125xi32, #tpu.memory_space<vmem>>
      %dma_start3A_234 = tpu.memref_squeeze %dma_start3A_233 : memref<1x125xi32, #tpu.memory_space<vmem>> -> memref<125xi32, #tpu.memory_space<vmem>>
      %dma_start3A_235 = arith.constant 0 : i32
      %dma_start3A_236 = arith.constant 0 : i32
      %dma_start3A_237 = tpu.memref_slice %arg7[%dma_start3A_235, %dma_start3A_236] : memref<10112x128xf32, #tpu.memory_space<vmem_shared>> -> memref<10112x128xf32, #tpu.memory_space<vmem_shared>>
      tpu.enqueue_indirect_dma source(%arg10 : memref<125x128xf32, #tpu.memory_space<vmem>>) target(%dma_start3A_237 : memref<10112x128xf32, #tpu.memory_space<vmem_shared>>) offsets(%dma_start3A_234 : memref<125xi32, #tpu.memory_space<vmem>>) semaphore(%arg15 : memref<!tpu.dma_semaphore, #tpu.memory_space<semaphore_mem>>) {add = true}
      %get3A_238 = arith.constant 11 : i32
      %get3A_239 = arith.index_cast %get3A_238 : i32 to index
      %get3A_240 = arith.constant 0 : index
      %get3A_241 = tpu.vector_load %arg8[%get3A_239, %get3A_240] {strides = array<i32>} : memref<16x125xi32, #tpu.memory_space<vmem>>, vector<16xi32>,
      tpu.vector_store_idx %arg11[%get3A_241], %broadcast_in_dim3A_10 {add = true} : memref<10112xf32, #tpu.memory_space<vmem>>[vector<16xi32>], vector<16xf32>,
      %get3A_242 = arith.constant 11 : i32
      %get3A_243 = arith.index_cast %get3A_242 : i32 to index
      %get3A_244 = arith.constant 16 : index
      %get3A_245 = tpu.vector_load %arg8[%get3A_243, %get3A_244] {strides = array<i32>} : memref<16x125xi32, #tpu.memory_space<vmem>>, vector<16xi32>,
      tpu.vector_store_idx %arg11[%get3A_245], %broadcast_in_dim3A_10 {add = true} : memref<10112xf32, #tpu.memory_space<vmem>>[vector<16xi32>], vector<16xf32>,
      %get3A_246 = arith.constant 11 : i32
      %get3A_247 = arith.index_cast %get3A_246 : i32 to index
      %get3A_248 = arith.constant 32 : index
      %get3A_249 = tpu.vector_load %arg8[%get3A_247, %get3A_248] {strides = array<i32>} : memref<16x125xi32, #tpu.memory_space<vmem>>, vector<16xi32>,
      tpu.vector_store_idx %arg11[%get3A_249], %broadcast_in_dim3A_10 {add = true} : memref<10112xf32, #tpu.memory_space<vmem>>[vector<16xi32>], vector<16xf32>,
      %get3A_250 = arith.constant 11 : i32
      %get3A_251 = arith.index_cast %get3A_250 : i32 to index
      %get3A_252 = arith.constant 48 : index
      %get3A_253 = tpu.vector_load %arg8[%get3A_251, %get3A_252] {strides = array<i32>} : memref<16x125xi32, #tpu.memory_space<vmem>>, vector<16xi32>,
      tpu.vector_store_idx %arg11[%get3A_253], %broadcast_in_dim3A_10 {add = true} : memref<10112xf32, #tpu.memory_space<vmem>>[vector<16xi32>], vector<16xf32>,
      %get3A_254 = arith.constant 11 : i32
      %get3A_255 = arith.index_cast %get3A_254 : i32 to index
      %get3A_256 = arith.constant 64 : index
      %get3A_257 = tpu.vector_load %arg8[%get3A_255, %get3A_256] {strides = array<i32>} : memref<16x125xi32, #tpu.memory_space<vmem>>, vector<16xi32>,
      tpu.vector_store_idx %arg11[%get3A_257], %broadcast_in_dim3A_10 {add = true} : memref<10112xf32, #tpu.memory_space<vmem>>[vector<16xi32>], vector<16xf32>,
      %get3A_258 = arith.constant 11 : i32
      %get3A_259 = arith.index_cast %get3A_258 : i32 to index
      %get3A_260 = arith.constant 80 : index
      %get3A_261 = tpu.vector_load %arg8[%get3A_259, %get3A_260] {strides = array<i32>} : memref<16x125xi32, #tpu.memory_space<vmem>>, vector<16xi32>,
      tpu.vector_store_idx %arg11[%get3A_261], %broadcast_in_dim3A_10 {add = true} : memref<10112xf32, #tpu.memory_space<vmem>>[vector<16xi32>], vector<16xf32>,
      %get3A_262 = arith.constant 11 : i32
      %get3A_263 = arith.index_cast %get3A_262 : i32 to index
      %get3A_264 = arith.constant 96 : index
      %get3A_265 = tpu.vector_load %arg8[%get3A_263, %get3A_264] {strides = array<i32>} : memref<16x125xi32, #tpu.memory_space<vmem>>, vector<16xi32>,
      tpu.vector_store_idx %arg11[%get3A_265], %broadcast_in_dim3A_10 {add = true} : memref<10112xf32, #tpu.memory_space<vmem>>[vector<16xi32>], vector<16xf32>,
      %get3A_266 = arith.constant 11 : i32
      %get3A_267 = arith.index_cast %get3A_266 : i32 to index
      %get3A_268 = arith.constant 109 : index
      %get3A_269 = tpu.vector_load %arg8[%get3A_267, %get3A_268] {strides = array<i32>} : memref<16x125xi32, #tpu.memory_space<vmem>>, vector<16xi32>,
      %iota3A_270 = tpu.iota {dimensions = array<i32: 0>} : vector<16xi32>
      %ge3A_271 = arith.constant 3 : i32
      %ge3A_272 = vector.broadcast %ge3A_271 : i32 to vector<16xi32>
      %ge3A_273 = arith.cmpi sge, %iota3A_270, %ge3A_272 : vector<16xi32>
      tpu.vector_store_idx %arg11[%get3A_269], %broadcast_in_dim3A_10 masked %ge3A_273 {add = true} : memref<10112xf32, #tpu.memory_space<vmem>>[vector<16xi32>], vector<16xf32>, vector<16xi1>
      %dma_wait3A_274 = arith.constant 11 : i32
      %dma_wait3A_275 = arith.constant 0 : i32
      %dma_wait3A_276 = tpu.memref_slice %arg8[%dma_wait3A_274, %dma_wait3A_275] : memref<16x125xi32, #tpu.memory_space<vmem>> -> memref<1x125xi32, #tpu.memory_space<vmem>>
      %dma_wait3A_277 = tpu.memref_squeeze %dma_wait3A_276 : memref<1x125xi32, #tpu.memory_space<vmem>> -> memref<125xi32, #tpu.memory_space<vmem>>
      %dma_wait3A_278 = arith.constant 0 : i32
      %dma_wait3A_279 = arith.constant 0 : i32
      %dma_wait3A_280 = tpu.memref_slice %arg7[%dma_wait3A_278, %dma_wait3A_279] : memref<10112x128xf32, #tpu.memory_space<vmem_shared>> -> memref<10112x128xf32, #tpu.memory_space<vmem_shared>>
      tpu.wait_indirect_dma semaphore(%arg15 : memref<!tpu.dma_semaphore, #tpu.memory_space<semaphore_mem>>) src(%arg10 : memref<125x128xf32, #tpu.memory_space<vmem>>) dst(%dma_wait3A_280 : memref<10112x128xf32, #tpu.memory_space<vmem_shared>>)
      %dma_start3A_281 = arith.constant 5 : i32
      %dma_start3A_282 = arith.constant 0 : i32
      %dma_start3A_283 = tpu.memref_slice %arg8[%dma_start3A_281, %dma_start3A_282] : memref<16x125xi32, #tpu.memory_space<vmem>> -> memref<1x125xi32, #tpu.memory_space<vmem>>
      %dma_start3A_284 = tpu.memref_squeeze %dma_start3A_283 : memref<1x125xi32, #tpu.memory_space<vmem>> -> memref<125xi32, #tpu.memory_space<vmem>>
      %dma_start3A_285 = arith.constant 0 : i32
      %dma_start3A_286 = arith.constant 0 : i32
      %dma_start3A_287 = tpu.memref_slice %arg2[%dma_start3A_285, %dma_start3A_286] : memref<10000x128xf32, #tpu.memory_space<hbm>> -> memref<10000x128xf32, #tpu.memory_space<hbm>>
      tpu.enqueue_indirect_dma source(%dma_start3A_287 : memref<10000x128xf32, #tpu.memory_space<hbm>>) target(%arg10 : memref<125x128xf32, #tpu.memory_space<vmem>>) offsets(%dma_start3A_284 : memref<125xi32, #tpu.memory_space<vmem>>) semaphore(%arg13 : memref<!tpu.dma_semaphore, #tpu.memory_space<semaphore_mem>>)
      %dma_wait3A_288 = arith.constant 4 : i32
      %dma_wait3A_289 = arith.constant 0 : i32
      %dma_wait3A_290 = tpu.memref_slice %arg8[%dma_wait3A_288, %dma_wait3A_289] : memref<16x125xi32, #tpu.memory_space<vmem>> -> memref<1x125xi32, #tpu.memory_space<vmem>>
      %dma_wait3A_291 = tpu.memref_squeeze %dma_wait3A_290 : memref<1x125xi32, #tpu.memory_space<vmem>> -> memref<125xi32, #tpu.memory_space<vmem>>
      %dma_wait3A_292 = arith.constant 0 : i32
      %dma_wait3A_293 = arith.constant 0 : i32
      %dma_wait3A_294 = tpu.memref_slice %arg2[%dma_wait3A_292, %dma_wait3A_293] : memref<10000x128xf32, #tpu.memory_space<hbm>> -> memref<10000x128xf32, #tpu.memory_space<hbm>>
      tpu.wait_indirect_dma semaphore(%arg12 : memref<!tpu.dma_semaphore, #tpu.memory_space<semaphore_mem>>) src(%dma_wait3A_294 : memref<10000x128xf32, #tpu.memory_space<hbm>>) dst(%arg9 : memref<125x128xf32, #tpu.memory_space<vmem>>)
      %dma_start3A_295 = arith.constant 12 : i32
      %dma_start3A_296 = arith.constant 0 : i32
      %dma_start3A_297 = tpu.memref_slice %arg8[%dma_start3A_295, %dma_start3A_296] : memref<16x125xi32, #tpu.memory_space<vmem>> -> memref<1x125xi32, #tpu.memory_space<vmem>>
      %dma_start3A_298 = tpu.memref_squeeze %dma_start3A_297 : memref<1x125xi32, #tpu.memory_space<vmem>> -> memref<125xi32, #tpu.memory_space<vmem>>
      %dma_start3A_299 = arith.constant 0 : i32
      %dma_start3A_300 = arith.constant 0 : i32
      %dma_start3A_301 = tpu.memref_slice %arg7[%dma_start3A_299, %dma_start3A_300] : memref<10112x128xf32, #tpu.memory_space<vmem_shared>> -> memref<10112x128xf32, #tpu.memory_space<vmem_shared>>
      tpu.enqueue_indirect_dma source(%arg9 : memref<125x128xf32, #tpu.memory_space<vmem>>) target(%dma_start3A_301 : memref<10112x128xf32, #tpu.memory_space<vmem_shared>>) offsets(%dma_start3A_298 : memref<125xi32, #tpu.memory_space<vmem>>) semaphore(%arg14 : memref<!tpu.dma_semaphore, #tpu.memory_space<semaphore_mem>>) {add = true}
      %get3A_302 = arith.constant 12 : i32
      %get3A_303 = arith.index_cast %get3A_302 : i32 to index
      %get3A_304 = arith.constant 0 : index
      %get3A_305 = tpu.vector_load %arg8[%get3A_303, %get3A_304] {strides = array<i32>} : memref<16x125xi32, #tpu.memory_space<vmem>>, vector<16xi32>,
      tpu.vector_store_idx %arg11[%get3A_305], %broadcast_in_dim3A_10 {add = true} : memref<10112xf32, #tpu.memory_space<vmem>>[vector<16xi32>], vector<16xf32>,
      %get3A_306 = arith.constant 12 : i32
      %get3A_307 = arith.index_cast %get3A_306 : i32 to index
      %get3A_308 = arith.constant 16 : index
      %get3A_309 = tpu.vector_load %arg8[%get3A_307, %get3A_308] {strides = array<i32>} : memref<16x125xi32, #tpu.memory_space<vmem>>, vector<16xi32>,
      tpu.vector_store_idx %arg11[%get3A_309], %broadcast_in_dim3A_10 {add = true} : memref<10112xf32, #tpu.memory_space<vmem>>[vector<16xi32>], vector<16xf32>,
      %get3A_310 = arith.constant 12 : i32
      %get3A_311 = arith.index_cast %get3A_310 : i32 to index
      %get3A_312 = arith.constant 32 : index
      %get3A_313 = tpu.vector_load %arg8[%get3A_311, %get3A_312] {strides = array<i32>} : memref<16x125xi32, #tpu.memory_space<vmem>>, vector<16xi32>,
      tpu.vector_store_idx %arg11[%get3A_313], %broadcast_in_dim3A_10 {add = true} : memref<10112xf32, #tpu.memory_space<vmem>>[vector<16xi32>], vector<16xf32>,
      %get3A_314 = arith.constant 12 : i32
      %get3A_315 = arith.index_cast %get3A_314 : i32 to index
      %get3A_316 = arith.constant 48 : index
      %get3A_317 = tpu.vector_load %arg8[%get3A_315, %get3A_316] {strides = array<i32>} : memref<16x125xi32, #tpu.memory_space<vmem>>, vector<16xi32>,
      tpu.vector_store_idx %arg11[%get3A_317], %broadcast_in_dim3A_10 {add = true} : memref<10112xf32, #tpu.memory_space<vmem>>[vector<16xi32>], vector<16xf32>,
      %get3A_318 = arith.constant 12 : i32
      %get3A_319 = arith.index_cast %get3A_318 : i32 to index
      %get3A_320 = arith.constant 64 : index
      %get3A_321 = tpu.vector_load %arg8[%get3A_319, %get3A_320] {strides = array<i32>} : memref<16x125xi32, #tpu.memory_space<vmem>>, vector<16xi32>,
      tpu.vector_store_idx %arg11[%get3A_321], %broadcast_in_dim3A_10 {add = true} : memref<10112xf32, #tpu.memory_space<vmem>>[vector<16xi32>], vector<16xf32>,
      %get3A_322 = arith.constant 12 : i32
      %get3A_323 = arith.index_cast %get3A_322 : i32 to index
      %get3A_324 = arith.constant 80 : index
      %get3A_325 = tpu.vector_load %arg8[%get3A_323, %get3A_324] {strides = array<i32>} : memref<16x125xi32, #tpu.memory_space<vmem>>, vector<16xi32>,
      tpu.vector_store_idx %arg11[%get3A_325], %broadcast_in_dim3A_10 {add = true} : memref<10112xf32, #tpu.memory_space<vmem>>[vector<16xi32>], vector<16xf32>,
      %get3A_326 = arith.constant 12 : i32
      %get3A_327 = arith.index_cast %get3A_326 : i32 to index
      %get3A_328 = arith.constant 96 : index
      %get3A_329 = tpu.vector_load %arg8[%get3A_327, %get3A_328] {strides = array<i32>} : memref<16x125xi32, #tpu.memory_space<vmem>>, vector<16xi32>,
      tpu.vector_store_idx %arg11[%get3A_329], %broadcast_in_dim3A_10 {add = true} : memref<10112xf32, #tpu.memory_space<vmem>>[vector<16xi32>], vector<16xf32>,
      %get3A_330 = arith.constant 12 : i32
      %get3A_331 = arith.index_cast %get3A_330 : i32 to index
      %get3A_332 = arith.constant 109 : index
      %get3A_333 = tpu.vector_load %arg8[%get3A_331, %get3A_332] {strides = array<i32>} : memref<16x125xi32, #tpu.memory_space<vmem>>, vector<16xi32>,
      %iota3A_334 = tpu.iota {dimensions = array<i32: 0>} : vector<16xi32>
      %ge3A_335 = arith.constant 3 : i32
      %ge3A_336 = vector.broadcast %ge3A_335 : i32 to vector<16xi32>
      %ge3A_337 = arith.cmpi sge, %iota3A_334, %ge3A_336 : vector<16xi32>
      tpu.vector_store_idx %arg11[%get3A_333], %broadcast_in_dim3A_10 masked %ge3A_337 {add = true} : memref<10112xf32, #tpu.memory_space<vmem>>[vector<16xi32>], vector<16xf32>, vector<16xi1>
      %dma_wait3A_338 = arith.constant 12 : i32
      %dma_wait3A_339 = arith.constant 0 : i32
      %dma_wait3A_340 = tpu.memref_slice %arg8[%dma_wait3A_338, %dma_wait3A_339] : memref<16x125xi32, #tpu.memory_space<vmem>> -> memref<1x125xi32, #tpu.memory_space<vmem>>
      %dma_wait3A_341 = tpu.memref_squeeze %dma_wait3A_340 : memref<1x125xi32, #tpu.memory_space<vmem>> -> memref<125xi32, #tpu.memory_space<vmem>>
      %dma_wait3A_342 = arith.constant 0 : i32
      %dma_wait3A_343 = arith.constant 0 : i32
      %dma_wait3A_344 = tpu.memref_slice %arg7[%dma_wait3A_342, %dma_wait3A_343] : memref<10112x128xf32, #tpu.memory_space<vmem_shared>> -> memref<10112x128xf32, #tpu.memory_space<vmem_shared>>
      tpu.wait_indirect_dma semaphore(%arg14 : memref<!tpu.dma_semaphore, #tpu.memory_space<semaphore_mem>>) src(%arg9 : memref<125x128xf32, #tpu.memory_space<vmem>>) dst(%dma_wait3A_344 : memref<10112x128xf32, #tpu.memory_space<vmem_shared>>)
      %dma_start3A_345 = arith.constant 6 : i32
      %dma_start3A_346 = arith.constant 0 : i32
      %dma_start3A_347 = tpu.memref_slice %arg8[%dma_start3A_345, %dma_start3A_346] : memref<16x125xi32, #tpu.memory_space<vmem>> -> memref<1x125xi32, #tpu.memory_space<vmem>>
      %dma_start3A_348 = tpu.memref_squeeze %dma_start3A_347 : memref<1x125xi32, #tpu.memory_space<vmem>> -> memref<125xi32, #tpu.memory_space<vmem>>
      %dma_start3A_349 = arith.constant 0 : i32
      %dma_start3A_350 = arith.constant 0 : i32
      %dma_start3A_351 = tpu.memref_slice %arg2[%dma_start3A_349, %dma_start3A_350] : memref<10000x128xf32, #tpu.memory_space<hbm>> -> memref<10000x128xf32, #tpu.memory_space<hbm>>
      tpu.enqueue_indirect_dma source(%dma_start3A_351 : memref<10000x128xf32, #tpu.memory_space<hbm>>) target(%arg9 : memref<125x128xf32, #tpu.memory_space<vmem>>) offsets(%dma_start3A_348 : memref<125xi32, #tpu.memory_space<vmem>>) semaphore(%arg12 : memref<!tpu.dma_semaphore, #tpu.memory_space<semaphore_mem>>)
      %dma_wait3A_352 = arith.constant 5 : i32
      %dma_wait3A_353 = arith.constant 0 : i32
      %dma_wait3A_354 = tpu.memref_slice %arg8[%dma_wait3A_352, %dma_wait3A_353] : memref<16x125xi32, #tpu.memory_space<vmem>> -> memref<1x125xi32, #tpu.memory_space<vmem>>
      %dma_wait3A_355 = tpu.memref_squeeze %dma_wait3A_354 : memref<1x125xi32, #tpu.memory_space<vmem>> -> memref<125xi32, #tpu.memory_space<vmem>>
      %dma_wait3A_356 = arith.constant 0 : i32
      %dma_wait3A_357 = arith.constant 0 : i32
      %dma_wait3A_358 = tpu.memref_slice %arg2[%dma_wait3A_356, %dma_wait3A_357] : memref<10000x128xf32, #tpu.memory_space<hbm>> -> memref<10000x128xf32, #tpu.memory_space<hbm>>
      tpu.wait_indirect_dma semaphore(%arg13 : memref<!tpu.dma_semaphore, #tpu.memory_space<semaphore_mem>>) src(%dma_wait3A_358 : memref<10000x128xf32, #tpu.memory_space<hbm>>) dst(%arg10 : memref<125x128xf32, #tpu.memory_space<vmem>>)
      %dma_start3A_359 = arith.constant 13 : i32
      %dma_start3A_360 = arith.constant 0 : i32
      %dma_start3A_361 = tpu.memref_slice %arg8[%dma_start3A_359, %dma_start3A_360] : memref<16x125xi32, #tpu.memory_space<vmem>> -> memref<1x125xi32, #tpu.memory_space<vmem>>
      %dma_start3A_362 = tpu.memref_squeeze %dma_start3A_361 : memref<1x125xi32, #tpu.memory_space<vmem>> -> memref<125xi32, #tpu.memory_space<vmem>>
      %dma_start3A_363 = arith.constant 0 : i32
      %dma_start3A_364 = arith.constant 0 : i32
      %dma_start3A_365 = tpu.memref_slice %arg7[%dma_start3A_363, %dma_start3A_364] : memref<10112x128xf32, #tpu.memory_space<vmem_shared>> -> memref<10112x128xf32, #tpu.memory_space<vmem_shared>>
      tpu.enqueue_indirect_dma source(%arg10 : memref<125x128xf32, #tpu.memory_space<vmem>>) target(%dma_start3A_365 : memref<10112x128xf32, #tpu.memory_space<vmem_shared>>) offsets(%dma_start3A_362 : memref<125xi32, #tpu.memory_space<vmem>>) semaphore(%arg15 : memref<!tpu.dma_semaphore, #tpu.memory_space<semaphore_mem>>) {add = true}
      %get3A_366 = arith.constant 13 : i32
      %get3A_367 = arith.index_cast %get3A_366 : i32 to index
      %get3A_368 = arith.constant 0 : index
      %get3A_369 = tpu.vector_load %arg8[%get3A_367, %get3A_368] {strides = array<i32>} : memref<16x125xi32, #tpu.memory_space<vmem>>, vector<16xi32>,
      tpu.vector_store_idx %arg11[%get3A_369], %broadcast_in_dim3A_10 {add = true} : memref<10112xf32, #tpu.memory_space<vmem>>[vector<16xi32>], vector<16xf32>,
      %get3A_370 = arith.constant 13 : i32
      %get3A_371 = arith.index_cast %get3A_370 : i32 to index
      %get3A_372 = arith.constant 16 : index
      %get3A_373 = tpu.vector_load %arg8[%get3A_371, %get3A_372] {strides = array<i32>} : memref<16x125xi32, #tpu.memory_space<vmem>>, vector<16xi32>,
      tpu.vector_store_idx %arg11[%get3A_373], %broadcast_in_dim3A_10 {add = true} : memref<10112xf32, #tpu.memory_space<vmem>>[vector<16xi32>], vector<16xf32>,
      %get3A_374 = arith.constant 13 : i32
      %get3A_375 = arith.index_cast %get3A_374 : i32 to index
      %get3A_376 = arith.constant 32 : index
      %get3A_377 = tpu.vector_load %arg8[%get3A_375, %get3A_376] {strides = array<i32>} : memref<16x125xi32, #tpu.memory_space<vmem>>, vector<16xi32>,
      tpu.vector_store_idx %arg11[%get3A_377], %broadcast_in_dim3A_10 {add = true} : memref<10112xf32, #tpu.memory_space<vmem>>[vector<16xi32>], vector<16xf32>,
      %get3A_378 = arith.constant 13 : i32
      %get3A_379 = arith.index_cast %get3A_378 : i32 to index
      %get3A_380 = arith.constant 48 : index
      %get3A_381 = tpu.vector_load %arg8[%get3A_379, %get3A_380] {strides = array<i32>} : memref<16x125xi32, #tpu.memory_space<vmem>>, vector<16xi32>,
      tpu.vector_store_idx %arg11[%get3A_381], %broadcast_in_dim3A_10 {add = true} : memref<10112xf32, #tpu.memory_space<vmem>>[vector<16xi32>], vector<16xf32>,
      %get3A_382 = arith.constant 13 : i32
      %get3A_383 = arith.index_cast %get3A_382 : i32 to index
      %get3A_384 = arith.constant 64 : index
      %get3A_385 = tpu.vector_load %arg8[%get3A_383, %get3A_384] {strides = array<i32>} : memref<16x125xi32, #tpu.memory_space<vmem>>, vector<16xi32>,
      tpu.vector_store_idx %arg11[%get3A_385], %broadcast_in_dim3A_10 {add = true} : memref<10112xf32, #tpu.memory_space<vmem>>[vector<16xi32>], vector<16xf32>,
      %get3A_386 = arith.constant 13 : i32
      %get3A_387 = arith.index_cast %get3A_386 : i32 to index
      %get3A_388 = arith.constant 80 : index
      %get3A_389 = tpu.vector_load %arg8[%get3A_387, %get3A_388] {strides = array<i32>} : memref<16x125xi32, #tpu.memory_space<vmem>>, vector<16xi32>,
      tpu.vector_store_idx %arg11[%get3A_389], %broadcast_in_dim3A_10 {add = true} : memref<10112xf32, #tpu.memory_space<vmem>>[vector<16xi32>], vector<16xf32>,
      %get3A_390 = arith.constant 13 : i32
      %get3A_391 = arith.index_cast %get3A_390 : i32 to index
      %get3A_392 = arith.constant 96 : index
      %get3A_393 = tpu.vector_load %arg8[%get3A_391, %get3A_392] {strides = array<i32>} : memref<16x125xi32, #tpu.memory_space<vmem>>, vector<16xi32>,
      tpu.vector_store_idx %arg11[%get3A_393], %broadcast_in_dim3A_10 {add = true} : memref<10112xf32, #tpu.memory_space<vmem>>[vector<16xi32>], vector<16xf32>,
      %get3A_394 = arith.constant 13 : i32
      %get3A_395 = arith.index_cast %get3A_394 : i32 to index
      %get3A_396 = arith.constant 109 : index
      %get3A_397 = tpu.vector_load %arg8[%get3A_395, %get3A_396] {strides = array<i32>} : memref<16x125xi32, #tpu.memory_space<vmem>>, vector<16xi32>,
      %iota3A_398 = tpu.iota {dimensions = array<i32: 0>} : vector<16xi32>
      %ge3A_399 = arith.constant 3 : i32
      %ge3A_400 = vector.broadcast %ge3A_399 : i32 to vector<16xi32>
      %ge3A_401 = arith.cmpi sge, %iota3A_398, %ge3A_400 : vector<16xi32>
      tpu.vector_store_idx %arg11[%get3A_397], %broadcast_in_dim3A_10 masked %ge3A_401 {add = true} : memref<10112xf32, #tpu.memory_space<vmem>>[vector<16xi32>], vector<16xf32>, vector<16xi1>
      %dma_wait3A_402 = arith.constant 13 : i32
      %dma_wait3A_403 = arith.constant 0 : i32
      %dma_wait3A_404 = tpu.memref_slice %arg8[%dma_wait3A_402, %dma_wait3A_403] : memref<16x125xi32, #tpu.memory_space<vmem>> -> memref<1x125xi32, #tpu.memory_space<vmem>>
      %dma_wait3A_405 = tpu.memref_squeeze %dma_wait3A_404 : memref<1x125xi32, #tpu.memory_space<vmem>> -> memref<125xi32, #tpu.memory_space<vmem>>
      %dma_wait3A_406 = arith.constant 0 : i32
      %dma_wait3A_407 = arith.constant 0 : i32
      %dma_wait3A_408 = tpu.memref_slice %arg7[%dma_wait3A_406, %dma_wait3A_407] : memref<10112x128xf32, #tpu.memory_space<vmem_shared>> -> memref<10112x128xf32, #tpu.memory_space<vmem_shared>>
      tpu.wait_indirect_dma semaphore(%arg15 : memref<!tpu.dma_semaphore, #tpu.memory_space<semaphore_mem>>) src(%arg10 : memref<125x128xf32, #tpu.memory_space<vmem>>) dst(%dma_wait3A_408 : memref<10112x128xf32, #tpu.memory_space<vmem_shared>>)
      %dma_start3A_409 = arith.constant 7 : i32
      %dma_start3A_410 = arith.constant 0 : i32
      %dma_start3A_411 = tpu.memref_slice %arg8[%dma_start3A_409, %dma_start3A_410] : memref<16x125xi32, #tpu.memory_space<vmem>> -> memref<1x125xi32, #tpu.memory_space<vmem>>
      %dma_start3A_412 = tpu.memref_squeeze %dma_start3A_411 : memref<1x125xi32, #tpu.memory_space<vmem>> -> memref<125xi32, #tpu.memory_space<vmem>>
      %dma_start3A_413 = arith.constant 0 : i32
      %dma_start3A_414 = arith.constant 0 : i32
      %dma_start3A_415 = tpu.memref_slice %arg2[%dma_start3A_413, %dma_start3A_414] : memref<10000x128xf32, #tpu.memory_space<hbm>> -> memref<10000x128xf32, #tpu.memory_space<hbm>>
      tpu.enqueue_indirect_dma source(%dma_start3A_415 : memref<10000x128xf32, #tpu.memory_space<hbm>>) target(%arg10 : memref<125x128xf32, #tpu.memory_space<vmem>>) offsets(%dma_start3A_412 : memref<125xi32, #tpu.memory_space<vmem>>) semaphore(%arg13 : memref<!tpu.dma_semaphore, #tpu.memory_space<semaphore_mem>>)
      %dma_wait3A_416 = arith.constant 6 : i32
      %dma_wait3A_417 = arith.constant 0 : i32
      %dma_wait3A_418 = tpu.memref_slice %arg8[%dma_wait3A_416, %dma_wait3A_417] : memref<16x125xi32, #tpu.memory_space<vmem>> -> memref<1x125xi32, #tpu.memory_space<vmem>>
      %dma_wait3A_419 = tpu.memref_squeeze %dma_wait3A_418 : memref<1x125xi32, #tpu.memory_space<vmem>> -> memref<125xi32, #tpu.memory_space<vmem>>
      %dma_wait3A_420 = arith.constant 0 : i32
      %dma_wait3A_421 = arith.constant 0 : i32
      %dma_wait3A_422 = tpu.memref_slice %arg2[%dma_wait3A_420, %dma_wait3A_421] : memref<10000x128xf32, #tpu.memory_space<hbm>> -> memref<10000x128xf32, #tpu.memory_space<hbm>>
      tpu.wait_indirect_dma semaphore(%arg12 : memref<!tpu.dma_semaphore, #tpu.memory_space<semaphore_mem>>) src(%dma_wait3A_422 : memref<10000x128xf32, #tpu.memory_space<hbm>>) dst(%arg9 : memref<125x128xf32, #tpu.memory_space<vmem>>)
      %dma_start3A_423 = arith.constant 14 : i32
      %dma_start3A_424 = arith.constant 0 : i32
      %dma_start3A_425 = tpu.memref_slice %arg8[%dma_start3A_423, %dma_start3A_424] : memref<16x125xi32, #tpu.memory_space<vmem>> -> memref<1x125xi32, #tpu.memory_space<vmem>>
      %dma_start3A_426 = tpu.memref_squeeze %dma_start3A_425 : memref<1x125xi32, #tpu.memory_space<vmem>> -> memref<125xi32, #tpu.memory_space<vmem>>
      %dma_start3A_427 = arith.constant 0 : i32
      %dma_start3A_428 = arith.constant 0 : i32
      %dma_start3A_429 = tpu.memref_slice %arg7[%dma_start3A_427, %dma_start3A_428] : memref<10112x128xf32, #tpu.memory_space<vmem_shared>> -> memref<10112x128xf32, #tpu.memory_space<vmem_shared>>
      tpu.enqueue_indirect_dma source(%arg9 : memref<125x128xf32, #tpu.memory_space<vmem>>) target(%dma_start3A_429 : memref<10112x128xf32, #tpu.memory_space<vmem_shared>>) offsets(%dma_start3A_426 : memref<125xi32, #tpu.memory_space<vmem>>) semaphore(%arg14 : memref<!tpu.dma_semaphore, #tpu.memory_space<semaphore_mem>>) {add = true}
      %get3A_430 = arith.constant 14 : i32
      %get3A_431 = arith.index_cast %get3A_430 : i32 to index
      %get3A_432 = arith.constant 0 : index
      %get3A_433 = tpu.vector_load %arg8[%get3A_431, %get3A_432] {strides = array<i32>} : memref<16x125xi32, #tpu.memory_space<vmem>>, vector<16xi32>,
      tpu.vector_store_idx %arg11[%get3A_433], %broadcast_in_dim3A_10 {add = true} : memref<10112xf32, #tpu.memory_space<vmem>>[vector<16xi32>], vector<16xf32>,
      %get3A_434 = arith.constant 14 : i32
      %get3A_435 = arith.index_cast %get3A_434 : i32 to index
      %get3A_436 = arith.constant 16 : index
      %get3A_437 = tpu.vector_load %arg8[%get3A_435, %get3A_436] {strides = array<i32>} : memref<16x125xi32, #tpu.memory_space<vmem>>, vector<16xi32>,
      tpu.vector_store_idx %arg11[%get3A_437], %broadcast_in_dim3A_10 {add = true} : memref<10112xf32, #tpu.memory_space<vmem>>[vector<16xi32>], vector<16xf32>,
      %get3A_438 = arith.constant 14 : i32
      %get3A_439 = arith.index_cast %get3A_438 : i32 to index
      %get3A_440 = arith.constant 32 : index
      %get3A_441 = tpu.vector_load %arg8[%get3A_439, %get3A_440] {strides = array<i32>} : memref<16x125xi32, #tpu.memory_space<vmem>>, vector<16xi32>,
      tpu.vector_store_idx %arg11[%get3A_441], %broadcast_in_dim3A_10 {add = true} : memref<10112xf32, #tpu.memory_space<vmem>>[vector<16xi32>], vector<16xf32>,
      %get3A_442 = arith.constant 14 : i32
      %get3A_443 = arith.index_cast %get3A_442 : i32 to index
      %get3A_444 = arith.constant 48 : index
      %get3A_445 = tpu.vector_load %arg8[%get3A_443, %get3A_444] {strides = array<i32>} : memref<16x125xi32, #tpu.memory_space<vmem>>, vector<16xi32>,
      tpu.vector_store_idx %arg11[%get3A_445], %broadcast_in_dim3A_10 {add = true} : memref<10112xf32, #tpu.memory_space<vmem>>[vector<16xi32>], vector<16xf32>,
      %get3A_446 = arith.constant 14 : i32
      %get3A_447 = arith.index_cast %get3A_446 : i32 to index
      %get3A_448 = arith.constant 64 : index
      %get3A_449 = tpu.vector_load %arg8[%get3A_447, %get3A_448] {strides = array<i32>} : memref<16x125xi32, #tpu.memory_space<vmem>>, vector<16xi32>,
      tpu.vector_store_idx %arg11[%get3A_449], %broadcast_in_dim3A_10 {add = true} : memref<10112xf32, #tpu.memory_space<vmem>>[vector<16xi32>], vector<16xf32>,
      %get3A_450 = arith.constant 14 : i32
      %get3A_451 = arith.index_cast %get3A_450 : i32 to index
      %get3A_452 = arith.constant 80 : index
      %get3A_453 = tpu.vector_load %arg8[%get3A_451, %get3A_452] {strides = array<i32>} : memref<16x125xi32, #tpu.memory_space<vmem>>, vector<16xi32>,
      tpu.vector_store_idx %arg11[%get3A_453], %broadcast_in_dim3A_10 {add = true} : memref<10112xf32, #tpu.memory_space<vmem>>[vector<16xi32>], vector<16xf32>,
      %get3A_454 = arith.constant 14 : i32
      %get3A_455 = arith.index_cast %get3A_454 : i32 to index
      %get3A_456 = arith.constant 96 : index
      %get3A_457 = tpu.vector_load %arg8[%get3A_455, %get3A_456] {strides = array<i32>} : memref<16x125xi32, #tpu.memory_space<vmem>>, vector<16xi32>,
      tpu.vector_store_idx %arg11[%get3A_457], %broadcast_in_dim3A_10 {add = true} : memref<10112xf32, #tpu.memory_space<vmem>>[vector<16xi32>], vector<16xf32>,
      %get3A_458 = arith.constant 14 : i32
      %get3A_459 = arith.index_cast %get3A_458 : i32 to index
      %get3A_460 = arith.constant 109 : index
      %get3A_461 = tpu.vector_load %arg8[%get3A_459, %get3A_460] {strides = array<i32>} : memref<16x125xi32, #tpu.memory_space<vmem>>, vector<16xi32>,
      %iota3A_462 = tpu.iota {dimensions = array<i32: 0>} : vector<16xi32>
      %ge3A_463 = arith.constant 3 : i32
      %ge3A_464 = vector.broadcast %ge3A_463 : i32 to vector<16xi32>
      %ge3A_465 = arith.cmpi sge, %iota3A_462, %ge3A_464 : vector<16xi32>
      tpu.vector_store_idx %arg11[%get3A_461], %broadcast_in_dim3A_10 masked %ge3A_465 {add = true} : memref<10112xf32, #tpu.memory_space<vmem>>[vector<16xi32>], vector<16xf32>, vector<16xi1>
      %dma_wait3A_466 = arith.constant 7 : i32
      %dma_wait3A_467 = arith.constant 0 : i32
      %dma_wait3A_468 = tpu.memref_slice %arg8[%dma_wait3A_466, %dma_wait3A_467] : memref<16x125xi32, #tpu.memory_space<vmem>> -> memref<1x125xi32, #tpu.memory_space<vmem>>
      %dma_wait3A_469 = tpu.memref_squeeze %dma_wait3A_468 : memref<1x125xi32, #tpu.memory_space<vmem>> -> memref<125xi32, #tpu.memory_space<vmem>>
      %dma_wait3A_470 = arith.constant 0 : i32
      %dma_wait3A_471 = arith.constant 0 : i32
      %dma_wait3A_472 = tpu.memref_slice %arg2[%dma_wait3A_470, %dma_wait3A_471] : memref<10000x128xf32, #tpu.memory_space<hbm>> -> memref<10000x128xf32, #tpu.memory_space<hbm>>
      tpu.wait_indirect_dma semaphore(%arg13 : memref<!tpu.dma_semaphore, #tpu.memory_space<semaphore_mem>>) src(%dma_wait3A_472 : memref<10000x128xf32, #tpu.memory_space<hbm>>) dst(%arg10 : memref<125x128xf32, #tpu.memory_space<vmem>>)
      %dma_start3A_473 = arith.constant 15 : i32
      %dma_start3A_474 = arith.constant 0 : i32
      %dma_start3A_475 = tpu.memref_slice %arg8[%dma_start3A_473, %dma_start3A_474] : memref<16x125xi32, #tpu.memory_space<vmem>> -> memref<1x125xi32, #tpu.memory_space<vmem>>
      %dma_start3A_476 = tpu.memref_squeeze %dma_start3A_475 : memref<1x125xi32, #tpu.memory_space<vmem>> -> memref<125xi32, #tpu.memory_space<vmem>>
      %dma_start3A_477 = arith.constant 0 : i32
      %dma_start3A_478 = arith.constant 0 : i32
      %dma_start3A_479 = tpu.memref_slice %arg7[%dma_start3A_477, %dma_start3A_478] : memref<10112x128xf32, #tpu.memory_space<vmem_shared>> -> memref<10112x128xf32, #tpu.memory_space<vmem_shared>>
      tpu.enqueue_indirect_dma source(%arg10 : memref<125x128xf32, #tpu.memory_space<vmem>>) target(%dma_start3A_479 : memref<10112x128xf32, #tpu.memory_space<vmem_shared>>) offsets(%dma_start3A_476 : memref<125xi32, #tpu.memory_space<vmem>>) semaphore(%arg15 : memref<!tpu.dma_semaphore, #tpu.memory_space<semaphore_mem>>) {add = true}
      %get3A_480 = arith.constant 15 : i32
      %get3A_481 = arith.index_cast %get3A_480 : i32 to index
      %get3A_482 = arith.constant 0 : index
      %get3A_483 = tpu.vector_load %arg8[%get3A_481, %get3A_482] {strides = array<i32>} : memref<16x125xi32, #tpu.memory_space<vmem>>, vector<16xi32>,
      tpu.vector_store_idx %arg11[%get3A_483], %broadcast_in_dim3A_10 {add = true} : memref<10112xf32, #tpu.memory_space<vmem>>[vector<16xi32>], vector<16xf32>,
      %get3A_484 = arith.constant 15 : i32
      %get3A_485 = arith.index_cast %get3A_484 : i32 to index
      %get3A_486 = arith.constant 16 : index
      %get3A_487 = tpu.vector_load %arg8[%get3A_485, %get3A_486] {strides = array<i32>} : memref<16x125xi32, #tpu.memory_space<vmem>>, vector<16xi32>,
      tpu.vector_store_idx %arg11[%get3A_487], %broadcast_in_dim3A_10 {add = true} : memref<10112xf32, #tpu.memory_space<vmem>>[vector<16xi32>], vector<16xf32>,
      %get3A_488 = arith.constant 15 : i32
      %get3A_489 = arith.index_cast %get3A_488 : i32 to index
      %get3A_490 = arith.constant 32 : index
      %get3A_491 = tpu.vector_load %arg8[%get3A_489, %get3A_490] {strides = array<i32>} : memref<16x125xi32, #tpu.memory_space<vmem>>, vector<16xi32>,
      tpu.vector_store_idx %arg11[%get3A_491], %broadcast_in_dim3A_10 {add = true} : memref<10112xf32, #tpu.memory_space<vmem>>[vector<16xi32>], vector<16xf32>,
      %get3A_492 = arith.constant 15 : i32
      %get3A_493 = arith.index_cast %get3A_492 : i32 to index
      %get3A_494 = arith.constant 48 : index
      %get3A_495 = tpu.vector_load %arg8[%get3A_493, %get3A_494] {strides = array<i32>} : memref<16x125xi32, #tpu.memory_space<vmem>>, vector<16xi32>,
      tpu.vector_store_idx %arg11[%get3A_495], %broadcast_in_dim3A_10 {add = true} : memref<10112xf32, #tpu.memory_space<vmem>>[vector<16xi32>], vector<16xf32>,
      %get3A_496 = arith.constant 15 : i32
      %get3A_497 = arith.index_cast %get3A_496 : i32 to index
      %get3A_498 = arith.constant 64 : index
      %get3A_499 = tpu.vector_load %arg8[%get3A_497, %get3A_498] {strides = array<i32>} : memref<16x125xi32, #tpu.memory_space<vmem>>, vector<16xi32>,
      tpu.vector_store_idx %arg11[%get3A_499], %broadcast_in_dim3A_10 {add = true} : memref<10112xf32, #tpu.memory_space<vmem>>[vector<16xi32>], vector<16xf32>,
      %get3A_500 = arith.constant 15 : i32
      %get3A_501 = arith.index_cast %get3A_500 : i32 to index
      %get3A_502 = arith.constant 80 : index
      %get3A_503 = tpu.vector_load %arg8[%get3A_501, %get3A_502] {strides = array<i32>} : memref<16x125xi32, #tpu.memory_space<vmem>>, vector<16xi32>,
      tpu.vector_store_idx %arg11[%get3A_503], %broadcast_in_dim3A_10 {add = true} : memref<10112xf32, #tpu.memory_space<vmem>>[vector<16xi32>], vector<16xf32>,
      %get3A_504 = arith.constant 15 : i32
      %get3A_505 = arith.index_cast %get3A_504 : i32 to index
      %get3A_506 = arith.constant 96 : index
      %get3A_507 = tpu.vector_load %arg8[%get3A_505, %get3A_506] {strides = array<i32>} : memref<16x125xi32, #tpu.memory_space<vmem>>, vector<16xi32>,
      tpu.vector_store_idx %arg11[%get3A_507], %broadcast_in_dim3A_10 {add = true} : memref<10112xf32, #tpu.memory_space<vmem>>[vector<16xi32>], vector<16xf32>,
      %get3A_508 = arith.constant 15 : i32
      %get3A_509 = arith.index_cast %get3A_508 : i32 to index
      %get3A_510 = arith.constant 109 : index
      %get3A_511 = tpu.vector_load %arg8[%get3A_509, %get3A_510] {strides = array<i32>} : memref<16x125xi32, #tpu.memory_space<vmem>>, vector<16xi32>,
      %iota3A_512 = tpu.iota {dimensions = array<i32: 0>} : vector<16xi32>
      %ge3A_513 = arith.constant 3 : i32
      %ge3A_514 = vector.broadcast %ge3A_513 : i32 to vector<16xi32>
      %ge3A_515 = arith.cmpi sge, %iota3A_512, %ge3A_514 : vector<16xi32>
      tpu.vector_store_idx %arg11[%get3A_511], %broadcast_in_dim3A_10 masked %ge3A_515 {add = true} : memref<10112xf32, #tpu.memory_space<vmem>>[vector<16xi32>], vector<16xf32>, vector<16xi1>
      %dma_wait3A_516 = arith.constant 14 : i32
      %dma_wait3A_517 = arith.constant 0 : i32
      %dma_wait3A_518 = tpu.memref_slice %arg8[%dma_wait3A_516, %dma_wait3A_517] : memref<16x125xi32, #tpu.memory_space<vmem>> -> memref<1x125xi32, #tpu.memory_space<vmem>>
      %dma_wait3A_519 = tpu.memref_squeeze %dma_wait3A_518 : memref<1x125xi32, #tpu.memory_space<vmem>> -> memref<125xi32, #tpu.memory_space<vmem>>
      %dma_wait3A_520 = arith.constant 0 : i32
      %dma_wait3A_521 = arith.constant 0 : i32
      %dma_wait3A_522 = tpu.memref_slice %arg7[%dma_wait3A_520, %dma_wait3A_521] : memref<10112x128xf32, #tpu.memory_space<vmem_shared>> -> memref<10112x128xf32, #tpu.memory_space<vmem_shared>>
      tpu.wait_indirect_dma semaphore(%arg14 : memref<!tpu.dma_semaphore, #tpu.memory_space<semaphore_mem>>) src(%arg9 : memref<125x128xf32, #tpu.memory_space<vmem>>) dst(%dma_wait3A_522 : memref<10112x128xf32, #tpu.memory_space<vmem_shared>>)
      %dma_wait3A_523 = arith.constant 15 : i32
      %dma_wait3A_524 = arith.constant 0 : i32
      %dma_wait3A_525 = tpu.memref_slice %arg8[%dma_wait3A_523, %dma_wait3A_524] : memref<16x125xi32, #tpu.memory_space<vmem>> -> memref<1x125xi32, #tpu.memory_space<vmem>>
      %dma_wait3A_526 = tpu.memref_squeeze %dma_wait3A_525 : memref<1x125xi32, #tpu.memory_space<vmem>> -> memref<125xi32, #tpu.memory_space<vmem>>
      %dma_wait3A_527 = arith.constant 0 : i32
      %dma_wait3A_528 = arith.constant 0 : i32
      %dma_wait3A_529 = tpu.memref_slice %arg7[%dma_wait3A_527, %dma_wait3A_528] : memref<10112x128xf32, #tpu.memory_space<vmem_shared>> -> memref<10112x128xf32, #tpu.memory_space<vmem_shared>>
      tpu.wait_indirect_dma semaphore(%arg15 : memref<!tpu.dma_semaphore, #tpu.memory_space<semaphore_mem>>) src(%arg10 : memref<125x128xf32, #tpu.memory_space<vmem>>) dst(%dma_wait3A_529 : memref<10112x128xf32, #tpu.memory_space<vmem_shared>>)
    }
    %scan3A_16 = arith.constant 10 : i32
    %barrier3A_17 = arith.constant 0 : index
    tpu.barrier barrier_id(%barrier3A_17)
    %mul3A_18 = arith.constant 632 : i32
    %mul3A_19 = arith.muli %arg1, %mul3A_18 : i32
    "tpu.region"() ({
      %run_scoped3A = tpu.sem_alloc : memref<!tpu.dma_semaphore, #tpu.memory_space<semaphore_mem>>
      %dma_start3A = arith.constant 0 : i32
      %dma_start3A_22 = tpu.memref_slice %arg5[%arg0, %mul3A_19, %dma_start3A] : memref<2x10112x128xf32, #tpu.memory_space<hbm>> -> memref<1x632x128xf32, #tpu.memory_space<hbm>>
      %dma_start3A_23 = tpu.memref_squeeze %dma_start3A_22 : memref<1x632x128xf32, #tpu.memory_space<hbm>> -> memref<632x128xf32, #tpu.memory_space<hbm>>
      %dma_start3A_24 = arith.constant 0 : i32
      %dma_start3A_25 = tpu.memref_slice %arg7[%mul3A_19, %dma_start3A_24] : memref<10112x128xf32, #tpu.memory_space<vmem_shared>> -> memref<632x128xf32, #tpu.memory_space<vmem_shared>>
      tpu.enqueue_dma source(%dma_start3A_25 : memref<632x128xf32, #tpu.memory_space<vmem_shared>>) target(%dma_start3A_23 : memref<632x128xf32, #tpu.memory_space<hbm>>) target_semaphore(%run_scoped3A : memref<!tpu.dma_semaphore, #tpu.memory_space<semaphore_mem>>)
      %dma_wait3A = arith.constant 0 : i32
      %dma_wait3A_26 = tpu.memref_slice %arg5[%arg0, %mul3A_19, %dma_wait3A] : memref<2x10112x128xf32, #tpu.memory_space<hbm>> -> memref<1x632x128xf32, #tpu.memory_space<hbm>>
      %dma_wait3A_27 = tpu.memref_squeeze %dma_wait3A_26 : memref<1x632x128xf32, #tpu.memory_space<hbm>> -> memref<632x128xf32, #tpu.memory_space<hbm>>
      %dma_wait3A_28 = arith.constant 0 : i32
      %dma_wait3A_29 = tpu.memref_slice %arg7[%mul3A_19, %dma_wait3A_28] : memref<10112x128xf32, #tpu.memory_space<vmem_shared>> -> memref<632x128xf32, #tpu.memory_space<vmem_shared>>
      tpu.wait_dma2 semaphore(%run_scoped3A : memref<!tpu.dma_semaphore, #tpu.memory_space<semaphore_mem>>) src(%dma_wait3A_29 : memref<632x128xf32, #tpu.memory_space<vmem_shared>>) dst(%dma_wait3A_27 : memref<632x128xf32, #tpu.memory_space<hbm>>)
      tpu.yield
    }) : () -> ()
    %mul3A_20 = arith.constant 10112 : i32
    %mul3A_21 = arith.muli %add3A, %mul3A_20 : i32
    "tpu.region"() ({
      %run_scoped3A = tpu.sem_alloc : memref<!tpu.dma_semaphore, #tpu.memory_space<semaphore_mem>>
      %dma_start3A = tpu.memref_slice %arg6[%mul3A_21] : memref<323584xf32, #tpu.memory_space<hbm>> -> memref<10112xf32, #tpu.memory_space<hbm>>
      %dma_start3A_22 = tpu.memref_slice %arg6[%mul3A_21] : memref<323584xf32, #tpu.memory_space<hbm>> -> memref<10112xf32, #tpu.memory_space<hbm>>
      tpu.enqueue_dma source(%arg11 : memref<10112xf32, #tpu.memory_space<vmem>>) target(%dma_start3A_22 : memref<10112xf32, #tpu.memory_space<hbm>>) target_semaphore(%run_scoped3A : memref<!tpu.dma_semaphore, #tpu.memory_space<semaphore_mem>>)
      %dma_wait3A = tpu.memref_slice %arg6[%mul3A_21] : memref<323584xf32, #tpu.memory_space<hbm>> -> memref<10112xf32, #tpu.memory_space<hbm>>
      %dma_wait3A_23 = tpu.memref_slice %arg6[%mul3A_21] : memref<323584xf32, #tpu.memory_space<hbm>> -> memref<10112xf32, #tpu.memory_space<hbm>>
      tpu.wait_dma2 semaphore(%run_scoped3A : memref<!tpu.dma_semaphore, #tpu.memory_space<semaphore_mem>>) src(%arg11 : memref<10112xf32, #tpu.memory_space<vmem>>) dst(%dma_wait3A_23 : memref<10112xf32, #tpu.memory_space<hbm>>)
      tpu.yield
    }) : () -> ()
    return
  }
}

module attributes {stable_mosaic.version = 14 : i64} {
  func.func @_tc_combine_kernel(%arg0: i32, %arg1: memref<1x1000x128xf32, #tpu.memory_space<vmem>>, %arg2: memref<1x1000x128xf32, #tpu.memory_space<vmem>>, %arg3: memref<1000x32xf32, #tpu.memory_space<vmem>>, %arg4: memref<1000x128xf32, #tpu.memory_space<vmem>>, %arg5: memref<128x128xf32, #tpu.memory_space<vmem>>, %arg6: memref<128x128xf32, #tpu.memory_space<vmem>>, %arg7: memref<1x128xf32, #tpu.memory_space<vmem>>, %arg8: memref<1000x128xf32, #tpu.memory_space<vmem>>) attributes {dimension_semantics = [#tpu.dimension_semantics<arbitrary>], iteration_bounds = array<i64: 10>, scalar_prefetch = 0 : i64, scratch_operands = 0 : i64, tpu.core_type = #tpu.core_type<tc>, window_params = [{transform_indices = @transform_0, window_bounds = array<i64: 1, 1000, 128>}, {transform_indices = @transform_1, window_bounds = array<i64: 1, 1000, 128>}, {transform_indices = @transform_2, window_bounds = array<i64: 1000, 32>}, {transform_indices = @transform_3, window_bounds = array<i64: 1000, 128>}, {pipeline_mode = #tpu.pipeline_mode<synchronous>, transform_indices = @transform_4, window_bounds = array<i64: 128, 128>}, {pipeline_mode = #tpu.pipeline_mode<synchronous>, transform_indices = @transform_5, window_bounds = array<i64: 128, 128>}, {pipeline_mode = #tpu.pipeline_mode<synchronous>, transform_indices = @transform_6, window_bounds = array<i64: 1, 128>}, {transform_indices = @transform_7, window_bounds = array<i64: 1000, 128>}]} {
    %get3A = arith.constant 0 : index
    %get3A_0 = arith.constant 0 : index
    %get3A_1 = arith.constant 0 : index
    %get3A_2 = vector.load %arg1[%get3A, %get3A_0, %get3A_1] : memref<1x1000x128xf32, #tpu.memory_space<vmem>>, vector<1x1000x128xf32>
    %get3A_3 = vector.shape_cast %get3A_2 : vector<1x1000x128xf32> to vector<1000x128xf32>
    %get3A_4 = arith.constant 0 : index
    %get3A_5 = arith.constant 0 : index
    %get3A_6 = arith.constant 0 : index
    %get3A_7 = vector.load %arg2[%get3A_4, %get3A_5, %get3A_6] : memref<1x1000x128xf32, #tpu.memory_space<vmem>>, vector<1x1000x128xf32>
    %get3A_8 = vector.shape_cast %get3A_7 : vector<1x1000x128xf32> to vector<1000x128xf32>
    %add3A = arith.addf %get3A_3, %get3A_8 : vector<1000x128xf32>
    %get3A_9 = arith.constant 0 : index
    %get3A_10 = arith.constant 0 : index
    %get3A_11 = vector.load %arg3[%get3A_9, %get3A_10] : memref<1000x32xf32, #tpu.memory_space<vmem>>, vector<1000x32xf32>
    %reduce_sum3A = arith.constant dense<0.000000e+00> : vector<1000xf32>
    %reduce_sum3A_12 = vector.multi_reduction <add>, %get3A_11, %reduce_sum3A [1] : vector<1000x32xf32> to vector<1000xf32>
    %broadcast_in_dim3A = vector.shape_cast %reduce_sum3A_12 : vector<1000xf32> to vector<1000x1xf32>
    %max3A = arith.constant 1.000000e+00 : f32
    %max3A_13 = vector.broadcast %max3A : f32 to vector<1000x1xf32>
    %max3A_14 = arith.maximumf %broadcast_in_dim3A, %max3A_13 : vector<1000x1xf32>
    %div3A = vector.broadcast %max3A_14 : vector<1000x1xf32> to vector<1000x128xf32>
    %div3A_15 = arith.divf %add3A, %div3A : vector<1000x128xf32>
    %get3A_16 = arith.constant 0 : index
    %get3A_17 = arith.constant 0 : index
    %get3A_18 = vector.load %arg5[%get3A_16, %get3A_17] : memref<128x128xf32, #tpu.memory_space<vmem>>, vector<128x128xf32>
    %dot_general3A = arith.constant dense<0.000000e+00> : vector<1000x128xf32>
    %dot_general3A_19 = tpu.matmul %div3A_15, %get3A_18, %dot_general3A {dimension_numbers = #tpu.dot_dimension_numbers<[1], [0], [0], [1], [0, 0, 1, 1], [], []>, transpose_lhs_hint = false} : vector<1000x128xf32>, vector<128x128xf32>, vector<1000x128xf32> -> vector<1000x128xf32>
    %get3A_20 = arith.constant 0 : index
    %get3A_21 = arith.constant 0 : index
    %get3A_22 = vector.load %arg4[%get3A_20, %get3A_21] : memref<1000x128xf32, #tpu.memory_space<vmem>>, vector<1000x128xf32>
    %get3A_23 = arith.constant 0 : index
    %get3A_24 = arith.constant 0 : index
    %get3A_25 = vector.load %arg6[%get3A_23, %get3A_24] : memref<128x128xf32, #tpu.memory_space<vmem>>, vector<128x128xf32>
    %dot_general3A_26 = arith.constant dense<0.000000e+00> : vector<1000x128xf32>
    %dot_general3A_27 = tpu.matmul %get3A_22, %get3A_25, %dot_general3A_26 {dimension_numbers = #tpu.dot_dimension_numbers<[1], [0], [0], [1], [0, 0, 1, 1], [], []>, transpose_lhs_hint = false} : vector<1000x128xf32>, vector<128x128xf32>, vector<1000x128xf32> -> vector<1000x128xf32>
    %add3A_28 = arith.addf %dot_general3A_19, %dot_general3A_27 : vector<1000x128xf32>
    %get3A_29 = arith.constant 0 : index
    %get3A_30 = arith.constant 0 : index
    %get3A_31 = vector.load %arg7[%get3A_29, %get3A_30] : memref<1x128xf32, #tpu.memory_space<vmem>>, vector<1x128xf32>
    %add3A_32 = vector.broadcast %get3A_31 : vector<1x128xf32> to vector<1000x128xf32>
    %add3A_33 = arith.addf %add3A_28, %add3A_32 : vector<1000x128xf32>
    %swap3A = arith.constant 0 : index
    %swap3A_34 = arith.constant 0 : index
    %swap3A_35 = vector.load %arg8[%swap3A, %swap3A_34] : memref<1000x128xf32, #tpu.memory_space<vmem>>, vector<1000x128xf32>
    tpu.vector_store %arg8[%swap3A, %swap3A_34], %add3A_33 {strides = array<i32>} : memref<1000x128xf32, #tpu.memory_space<vmem>>, vector<1000x128xf32>,
    return
  }
  func.func @transform_0(%arg0: i32) -> (i32, i32, i32) {
    %c0_i32 = arith.constant 0 : i32
    %c0_i32_0 = arith.constant 0 : i32
    %c0_i32_1 = arith.constant 0 : i32
    return %c0_i32, %arg0, %c0_i32_0 : i32, i32, i32
  }
  func.func @transform_1(%arg0: i32) -> (i32, i32, i32) {
    %c1_i32 = arith.constant 1 : i32
    %c0_i32 = arith.constant 0 : i32
    %c0_i32_0 = arith.constant 0 : i32
    return %c1_i32, %arg0, %c0_i32 : i32, i32, i32
  }
  func.func @transform_2(%arg0: i32) -> (i32, i32) {
    %c0_i32 = arith.constant 0 : i32
    %c0_i32_0 = arith.constant 0 : i32
    return %arg0, %c0_i32 : i32, i32
  }
  func.func @transform_3(%arg0: i32) -> (i32, i32) {
    %c0_i32 = arith.constant 0 : i32
    %c0_i32_0 = arith.constant 0 : i32
    return %arg0, %c0_i32 : i32, i32
  }
  func.func @transform_4(%arg0: i32) -> (i32, i32) {
    %c0_i32 = arith.constant 0 : i32
    %c0_i32_0 = arith.constant 0 : i32
    %c0_i32_1 = arith.constant 0 : i32
    return %c0_i32, %c0_i32_0 : i32, i32
  }
  func.func @transform_5(%arg0: i32) -> (i32, i32) {
    %c0_i32 = arith.constant 0 : i32
    %c0_i32_0 = arith.constant 0 : i32
    %c0_i32_1 = arith.constant 0 : i32
    return %c0_i32, %c0_i32_0 : i32, i32
  }
  func.func @transform_6(%arg0: i32) -> (i32, i32) {
    %c0_i32 = arith.constant 0 : i32
    %c0_i32_0 = arith.constant 0 : i32
    %c0_i32_1 = arith.constant 0 : i32
    return %c0_i32, %c0_i32_0 : i32, i32
  }
  func.func @transform_7(%arg0: i32) -> (i32, i32) {
    %c0_i32 = arith.constant 0 : i32
    %c0_i32_0 = arith.constant 0 : i32
    return %arg0, %c0_i32 : i32, i32
  }
}

</mosaic_0001>

<sc_bundles>
// kernel: kernel.4.cloned.1.call-start
scs
__scs_entry_jumppad:
0x0: {  	(pc) =	sbr.rel $0x88, $3  }
0x1: {  	(tag) =	ssettag $0x0;
	lr =	simm.s32 $0x1  }
0x2: {  	[smem:$0x3F9C] =	sst lr;
	_ =	strace $0xD0000000  }
0x3: {  	_ = 	snop  }
0x4: {  	_ = 	snop  }
0x5: {  	_ = 	snop  }
0x6: {  	_ = 	snop  }
0x7: {  	_ = 	snop  }
__scs_overlays_trampoline_lowered:
0x8: {  	[smem:$0x3FAB] =	sst s0  }
0x9: {  	[smem:$0x3FAC] =	sst s1  }
0xa: {  	[smem:$0x3FAD] =	sst s2  }
0xb: {  	[smem:$0x3FAE] =	sst s3  }
0xc: {  	[smem:$0x3FAF] =	sst s4  }
0xd: {  	[smem:$0x3FB0] =	sst s5  }
0xe: {  	[smem:$0x3FB1] =	sst s6  }
0xf: {  	[smem:$0x3FB2] =	sst s7  }
0x10: {  	[smem:$0x3FB3] =	sst s8  }
0x11: {  	[smem:$0x3FB4] =	sst s9;
	s0 =	simm.s32 @!p0 $0x0  }
0x12: {  	s1 =	sld [smem:$0x3F9A];
	s0 =	simm.s32 @p0 $0x1  }
0x13: {  	[smem:$0x3FB5] =	sst s0;
	s0 =	simm.s32 @!p1 $0x0  }
0x14: {  	s2 =	sld [smem:$0x3F99];
	s0 =	simm.s32 @p1 $0x1  }
0x15: {  	[smem:$0x3FB6] =	sst s0;
	s0 =	simm.s32 @!p2 $0x0  }
0x16: {  	s3 =	sld [smem:$0x3FDB];
	s0 =	simm.s32 @p2 $0x1  }
0x17: {  	s4 =	simm.s32 $0x1BF5;
	[smem:$0x3FB8] =	sst s0  }
0x18: {  	s0 =	sld [smem:$0x3F9B];
	_ =	swait.ge [sflag:s4], $0x0  }
0x19: {  	s7 =	sld [smem:$0x3F9C]  }
0x1a: {  	s8 =	sadd.s32 $0xFFFFE003, lr  }
0x1b: {  	s9 =	sadd.s32 $0xFFFFFEF7, lr;
	s5 =	simm.s32 $0xFFFFFFFF;
	p2 =	slt.u32 s8, $0xFFFFF086  }
0x1c: {  	p1 =	slt.u32 s9, $0xF7A;
	s5 =	simm.s32 @!p2 $0x0  }
0x1d: {  	s5 =	simm.s32 @p1 $0x1;
	p0 =	seq.s32 s7, s2  }
0x1e: {  	s7 =	smul.u32 @!p0 $0xF7A, s2;
	p2 =	seq.s32 @!p0 s5, $0x0  }
0x1f: {  	s9 =	smul.u32 $0xF7A, s1;
	s8 =	simm.s32 @!p0 $0x1BF5;
	p2 =	por !p2, p0  }
0x20: {  	[sflag:s8] =	ssyncset.s32 @!p0 $0xFFFFF086;
	s6 =	sadd.s32 @!p0 s3, s7;
	s7 =	simm.s32 @!p0 $0x108  }
0x21: {  	s3 =	sadd.s32 s3, s9;
	s6 =	sadd.s32 @!p0 $0x88, s6;
	s7 =	simm.s32 @p2 $0x1082  }
0x22: {  	[simem:s7], [sflag:s8] =	dma.local @!p0 [hbm:s6], $0xF7A  }
0x23: {  	s9 =	sor.u32 $0xD0000000, s2;
	s6 =	simm.s32 $0x108;
	_ =	swait.ge @!p0 [sflag:s8], $0x0  }
0x24: {  	s3 =	sadd.s32 $0x88, s3;
	s6 =	simm.s32 @!p1 $0x1082;
	[sflag:s4] =	ssyncset.s32 $0xFFFFF086  }
0x25: {  	[simem:s6], [sflag:s4] =	dma.local [hbm:s3], $0xF7A  }
0x26: {  	[smem:$0x3F9C] =	sst s1;
	(tag) =	ssettag s2;
	_ =	strace s9  }
0x27: {  	s1 =	sld [smem:$0x3FAC]  }
0x28: {  	s2 =	sld [smem:$0x3FAD]  }
0x29: {  	s4 =	sld [smem:$0x3FAF]  }
0x2a: {  	p0 =	seq.s32 s5, $0x0;
	s5 =	sld [smem:$0x3FB0]  }
0x2b: {  	s6 =	sld [smem:$0x3FB1]  }
0x2c: {  	s7 =	sld [smem:$0x3FB2]  }
0x2d: {  	s3 =	simm.s32 $0x108;
	s8 =	sld [smem:$0x3FB3]  }
0x2e: {  	s3 =	simm.s32 @!p0 $0x1082;
	s9 =	sld [smem:$0x3FB4]  }
0x2f: {  	lr =	sadd.s32 s0, s3;
	s0 =	sld [smem:$0x3FAB]  }
0x30: {  	s3 =	sld [smem:$0x3FAE]  }
0x31: {  	[smem:$0x3FB7] =	sst s10  }
0x32: {  	s10 =	sld [smem:$0x3FB5];
	_ =	sdelay $0x3  }
0x33: {  	p0 =	seq.s32 s10, $0x1;
	s10 =	sld [smem:$0x3FB7];
	_ =	sdelay $0x3  }
0x34: {  	[smem:$0x3FB7] =	sst s10  }
0x35: {  	s10 =	sld [smem:$0x3FB6];
	_ =	sdelay $0x3  }
0x36: {  	p1 =	seq.s32 s10, $0x1;
	s10 =	sld [smem:$0x3FB7];
	_ =	sdelay $0x3  }
0x37: {  	[smem:$0x3FB7] =	sst s10  }
0x38: {  	s10 =	sld [smem:$0x3FB8]  }
0x39: {  	_ = 	snop;
	(pc) =	sbr.ind lr, $3  }
0x3a: {  	_ = 	snop  }
0x3b: {  	_ = 	snop  }
0x3c: {  	p2 =	seq.s32 s10, $0x1;
	s10 =	sld [smem:$0x3FB7]  }
0x3d: {  	_ =	shalt  }
0x3e: {  	_ =	shalt  }
0x3f: {  	_ =	shalt  }
0x40: {  	_ =	shalt  }
0x41: {  	_ =	shalt  }
0x42: {  	_ =	shalt  }
0x43: {  	_ =	shalt  }
0x44: {  	_ =	shalt  }
0x45: {  	_ =	shalt  }
0x46: {  	_ =	shalt  }
0x47: {  	_ =	shalt  }
0x48: {  	_ =	shalt  }
0x49: {  	_ =	shalt  }
0x4a: {  	_ =	shalt  }
0x4b: {  	_ =	shalt  }
0x4c: {  	_ =	shalt  }
0x4d: {  	_ =	shalt  }
0x4e: {  	_ =	shalt  }
0x4f: {  	_ =	shalt  }
0x50: {  	_ =	shalt  }
0x51: {  	_ =	shalt  }
0x52: {  	_ =	shalt  }
0x53: {  	_ =	shalt  }
0x54: {  	_ =	shalt  }
0x55: {  	_ =	shalt  }
0x56: {  	_ =	shalt  }
0x57: {  	_ =	shalt  }
0x58: {  	_ =	shalt  }
0x59: {  	_ =	shalt  }
0x5a: {  	_ =	shalt  }
0x5b: {  	_ =	shalt  }
0x5c: {  	_ =	shalt  }
0x5d: {  	_ =	shalt  }
0x5e: {  	_ =	shalt  }
0x5f: {  	_ =	shalt  }
0x60: {  	_ =	shalt  }
0x61: {  	_ =	shalt  }
0x62: {  	_ =	shalt  }
0x63: {  	_ =	shalt  }
0x64: {  	_ =	shalt  }
0x65: {  	_ =	shalt  }
0x66: {  	_ =	shalt  }
0x67: {  	_ =	shalt  }
0x68: {  	_ =	shalt  }
0x69: {  	_ =	shalt  }
0x6a: {  	_ =	shalt  }
0x6b: {  	_ =	shalt  }
0x6c: {  	_ =	shalt  }
0x6d: {  	_ =	shalt  }
0x6e: {  	_ =	shalt  }
0x6f: {  	_ =	shalt  }
0x70: {  	_ =	shalt  }
0x71: {  	_ =	shalt  }
0x72: {  	_ =	shalt  }
0x73: {  	_ =	shalt  }
0x74: {  	_ =	shalt  }
0x75: {  	_ =	shalt  }
0x76: {  	_ =	shalt  }
0x77: {  	_ =	shalt  }
0x78: {  	_ =	shalt  }
0x79: {  	_ =	shalt  }
0x7a: {  	_ =	shalt  }
0x7b: {  	_ =	shalt  }
0x7c: {  	_ =	shalt  }
0x7d: {  	_ =	shalt  }
0x7e: {  	_ =	shalt  }
0x7f: {  	_ =	shalt  }
0x80: {  	_ =	shalt  }
0x81: {  	_ =	shalt  }
0x82: {  	_ =	shalt  }
0x83: {  	_ =	shalt  }
0x84: {  	_ =	shalt  }
0x85: {  	_ =	shalt  }
0x86: {  	_ =	shalt  }
0x87: {  	_ =	shalt  }
.Lfunc_end0:
.L_simem_size_0:
called_computation_lowered:
.L_overlay_start_0:
0x88: {  	s2 =	sld [smem:$0x3FD9]  }
0x89: {  	s3 =	sld [smem:$0x3FFE];
	_ =	sdelay $0x1  }
0x8a: {  	s1 =	srdreg.scid  }
0x8b: {  	s0 =	sand.u32 $0x1, s1  }
0x8c: {  	s17 =	sshll.u32 s0, $0xA;
	s2 =	sadd.s32 s3, s2  }
0x8d: {  	s2 =	sadd.s32 s2, s17  }
0x8e: {  	[smem:$0x3FC3] =	sst s2  }
0x8f: {  	_ = 	snop  }
0x90: {  	s2 =	sld [smem:$0x3FC9]  }
0x91: {  	s18 =	sld [smem:$0x3FD0];
	(tm) =	ssettm $0x1  }
0x92: {  	s4 =	sld [smem:$0x3FFB];
	_ =	sdelay $0x3  }
0x93: {  	_ =	strace s4  }
0x94: {  	s4 =	sld [smem:$0x3FFC];
	_ =	sdelay $0x3  }
0x95: {  	_ =	strace s4  }
0x96: {  	s4 =	sld [smem:$0x3FFD];
	_ =	sdelay $0x3  }
0x97: {  	_ =	strace s4  }
0x98: {  	_ =	strace $0x8FFFFFFF  }
0x99: {  	s19 =	sld [smem:$0x3FDB];
	_ =	sdelay $0x1  }
0x9a: {  	s5 =	simm.s32 $_scs_section_size  }
0x9b: {  	s6 =	simm.s32 $_size__tile_overlayer_lowered;
	s7 =	simm.s32 $_tile_overlayer_lowered  }
0x9c: {  	s22 =	simm.s32 $0x1BFF;
	s21 =	sshll.u32 s7, $0x1;
	s4 =	sadd.s32 s5, s19  }
0x9d: {  	s8 =	simm.s32 $0x0;
	s20 =	sshll.u32 s6, $0x1;
	s6 =	sadd.s32 s21, s4  }
0x9e: {  	[timem:s8], [sflag:s22] =	dma.local [hbm:s6], s20  }
0x9f: {  	_ =	swait.ge [sflag:s22], s20  }
0xa0: {  	s5 =	ssub.s32 $0x0, s20;
	[sflag:s22] =	ssyncset.done $0x0  }
0xa1: {  	[sflag:s22] =	ssyncadd.s32 s5;
	_ =	sdelay $0x1  }
0xa2: {  	s23 =	simm.s32 $0x1B8B  }
0xa3: {  	_ =	swait.ge [sflag:s23], $0x1  }
0xa4: {  	[sflag:s23] =	ssyncset.done $0x0  }
0xa5: {  	s25 =	simm.s32 $0x1B8E;
	s24 =	sld [smem:$0x3FFE];
	[sflag:s23] =	ssyncadd.s32 $0xFFFFFFFF  }
0xa6: {  	s26 =	simm.s32 $execute0_lowered;
	[smem:$0x3FD2] =	sst s25  }
0xa7: {  	s6 =	sshll.u32 s26, $0x1;
	_ =	strace $0x80000046;
	[dreg:$0x1] =	wrdreg $0xFFFFFFFF  }
0xa8: {  	s28 =	simm.s32 $_size_execute0_lowered;
	s4 =	sadd.s32 s4, s6;
	[dreg:$0x0] =	wrdreg $0x0  }
0xa9: {  	s6 =	sshll.u32 s28, $0x1;
	[dreg:$0x2] =	wrdreg s4  }
0xaa: {  	[dreg:$0x3] =	wrdreg s6  }
0xab: {  	[dreg:$0x4] =	wrdreg $0xC0  }
0xac: {  	_ =	task [dreg:s8], $0x5FFFF  }
0xad: {  	[dreg:$0x1] =	wrdreg $0xFFFFFFFF  }
0xae: {  	[dreg:$0x0] =	wrdreg $0x60  }
0xaf: {  	[dreg:$0x2] =	wrdreg s2  }
0xb0: {  	[dreg:$0x3] =	wrdreg s18  }
0xb1: {  	[dreg:$0x4] =	wrdreg s24  }
0xb2: {  	[dreg:$0x5] =	wrdreg $0x0  }
0xb3: {  	[dreg:$0x6] =	wrdreg $0x9  }
0xb4: {  	_ =	task.clear_ibuf [dreg:s8], $0x7FFFF;
	_ =	strace $0x90000046  }
0xb5: {  	s29 =	simm.s32 $0x9;
	_ =	strace $0x80000048  }
0xb6: {  	_ =	swait.ge [sflag:s29], $0x1  }
0xb7: {  	[sflag:s29] =	ssyncadd.s32 $0xFFFFFFFF  }
0xb8: {  	_ =	strace $0x90000048  }
0xb9: {  	_ =	sfence  }
0xba: {  	s30 =	sld [smem:$0x0];
	_ =	sdelay $0x2  }
0xbb: {  	s31 =	sshll.u32 s1, $0xD;
	s1 =	sshrl.u32 s1, $0x2  }
0xbc: {  	s3 =	sand.u32 $0x4000, s31;
	s1 =	sadd.s32 s1, s30  }
0xbd: {  	s0 =	sor.u32 s3, s0;
	s1 =	sshll.u32 s1, $0x11  }
0xbe: {  	s0 =	sor.u32 s1, s0  }
0xbf: {  	s0 =	sadd.s32 $0x8F2B, s0  }
0xc0: {  	[sflag:s0] =	ssyncadd.remote.s32 $0x1  }
0xc1: {  	_ =	sfence.sel $0xFFFF  }
0xc2: {  	[dreg:$0x0] =	wrdreg $0xFFFFFFFF;
	(pc) =	sbr.abs _section_cstart, $3  }
0xc3: {  	[dreg:$0x1] =	wrdreg $0xFFFFFFFF  }
0xc4: {  	_ =	task.clear_ibuf [dreg:s8], $0x2FFFF;
	_ =	strace $0x9FFFFFFF  }
0xc5: {  	(tm) =	ssettm $0x7FFFFFFF  }
tec
execute0_lowered:
.L_overlay_start_1:
0x0: {  	(tag) =	ssettag $0x1  }
0x1: {  	s1 =	rddreg [dreg:$0x0]  }
0x2: {  	s0 =	rddreg [dreg:$0x1]  }
0x3: {  	s2 =	rddreg [dreg:$0x2]  }
0x4: {  	s3 =	rddreg [dreg:$0x3];
	s4 =	srdreg.scid  }
0x5: {  	s11 =	stileid.u32;
	s20 =	simm.s32 $0x0;
	s12 =	simm.s32 $0x13C00  }
0x6: {  	s13 =	simm.s32 $0x7D;
	s14 =	simm.s32 $0x14400;
	s15 =	simm.s32 $0x13C80  }
0x7: {  	s16 =	simm.s32 $0x18400;
	s17 =	simm.s32 $0x1;
	s18 =	simm.s32 $0x14000  }
0x8: {  	s19 =	simm.s32 $0x1C400;
	s28 =	simm.s32 $0x13E00;
	s29 =	simm.s32 $0x14180  }
0x9: {  	s30 =	simm.s32 $0x13E80;
	s31 =	simm.s32 $0x14200;
	s8 =	smul.u32 $0x13C00, s11  }
0xa: {  	s5 =	sand.u32 $0x1, s4;
	[smem:$0x7FF] =	sst s20;
	s9 =	smul.u32 $0x4F000, s11  }
0xb: {  	s10 =	sadd.s32 $0x1800, s2;
	s22 =	smul.u32 $0x5000, s11;
	s25 =	sshll.u32 s11, $0x6  }
0xc: {  	s20 =	simm.s32 $0x3;
	s4 =	simm.s32 $0x0;
	s6 =	smul.u32 $0x13C000, s5  }
0xd: {  	s7 =	sshll.u32 s5, $0x4;
	_ =	strace $0x80000047;
	[dreg:$0x6] =	wrdreg s10  }
0xe: {  	s21 =	smul.u32 $0x50000, s5;
	s5 =	ssub.s32 $0x2, s5;
	s10 =	sor.u32 $0x1C05, s25  }
0xf: {  	s25 =	simm.s32 $0x13D80;
	[dreg:$0xc] =	wrdreg s4;
	s7 =	sor.u32 s11, s7  }
0x10: {  	s23 =	sshrl.u32 s5, $0x1;
	s24 =	sshrl.u32 s9, $0x2;
	s11 =	simm.s32 $0x5  }
0x11: {  	[dreg:$0x7] =	wrdreg s10;
	s7 =	smul.u32 $0x4F0, s7;
	s6 =	sadd.s32 s8, s6  }
0x12: {  	s5 =	ssub.s32 s5, s23;
	s8 =	sadd.s32 s22, s21;
	s21 =	simm.s32 $0x13D00  }
0x13: {  	s22 =	simm.s32 $0x2;
	s23 =	simm.s32 $0x14080;
	s6 =	sshrl.u32 s6, $0x3  }
0x14: {  	s8 =	sshrl.u32 s8, $0x3;
	s26 =	smax.u32 s5, $0x1;
	s5 =	simm.s32 $0x13F80  }
0x15: {  	s6 =	sadd.s32 s6, s2;
	s2 =	sadd.s32 s7, s2;
	s7 =	sadd.s32 s24, s3  }
0x16: {  	s0 =	sadd.s32 s8, s0;
	[dreg:$0xa] =	wrdreg s26;
	s24 =	simm.s32 $0x4  }
0x17: {  	s26 =	simm.s32 $0x14100;
	s6 =	sadd.s32 $0xDE00, s6;
	[dreg:$0x5] =	wrdreg s0  }
0x18: {  	s8 =	simm.s32 $0x14380;
	s2 =	sadd.s32 $0x4000, s2;
	[dreg:$0x8] =	wrdreg s6  }
0x19: {  	s9 =	sshrl.u32 s7, $0x3;
	s0 =	simm.s32 $0x13F00;
	[dreg:$0x9] =	wrdreg s2  }
0x1a: {  	v0 =	vimm.f32 $0.0e+00;
	v1 =	vimm.f32 $1.000000000e+00;
	vm0 =	vcmask $0x3F0C;
	s7 =	simm.s32 $0x14300;
	s2 =	simm.s32 $0x14280;
	[dreg:$0xb] =	wrdreg s9  }
.LBB2_1:
0x1b: {  	s6 =	rddreg [dreg:$0x6]  }
0x1c: {  	[spmem:s9], [sflag:s10] =	dma.local [hbm:s6], $0x2780  }
0x1d: {  	_ =	swait.ge [sflag:s11], $0x2780  }
0x1e: {  	[sflag:s11] =	ssyncset.done $0x0  }
0x1f: {  	s6 =	simm.s32 $0x40;
	s10 =	simm.s32 $0x0;
	[sflag:s11] =	ssyncadd.s32 $0xFFFFD880  }
.LBB2_2:
0x20: {  	p0 =	sne.s32 s6, $0x9DC0;
	[tilespmem:s10+$0x1C400] =	vst v0;
	s10 =	smov.u32 s6;
	s6 =	sadd.s32 $0x40, s6  }
.Ltmp0:
0x21: {  	(pc) =	sbr.rel @p0 .LBB2_2-.Ltmp0, $2  }
0x22: {  	_ =	sdelay $0x2  }
0x23: {  	s10 =	sshra.s32 s10, $0x2  }
0x24: {  	[tilespmem:s10+$0x1C400] =	vst v0  }
0x25: {  	s6 =	simm.s32 $0x0;
	s4 =	simm.s32 $0x0;
	[bflag:$0x0] =	sbarrier.arrive $0xFFFF  }
.LBB2_4:
0x26: {  	s10 =	rddreg [dreg:$0x5]  }
0x27: {  	s10 =	sadd.s32 s6, s10  }
0x28: {  	[tilespmem:s12], [sflag:$0x5] =	stream.linear.gather [hbm4b:s10+s4], $0x800, $0x38;
	[tilespmem:$0x1EB80] =	vst v63  }
0x29: {  	_ =	swait.ge [sflag:s11], $0x800  }
0x2a: {  	[sflag:s11] =	ssyncset.done $0x0  }
0x2b: {  	[sflag:s11] =	ssyncadd.s32 $0xFFFFF800  }
0x2c: {  	[tilespmem:s14], [sflag:$0x1] =	stream.indirect.gather [hbm4b:s1+s13], $0x80, s12, s13, $0xb8;
	[tilespmem:$0x1EB80] =	vst v63  }
0x2d: {  	_ = 	snop  }
0x2e: {  	[tilespmem:s16], [sflag:$0x2] =	stream.indirect.gather [hbm4b:s1+s13], $0x80, s15, s13, $0xb8;
	[tilespmem:$0x1EB80] =	vst v63  }
0x2f: {  	_ =	swait.ge [sflag:s17], $0x3E80  }
0x30: {  	[sflag:s17] =	ssyncset.done $0x0  }
0x31: {  	[sflag:s17] =	ssyncadd.s32 $0xFFFFC180  }
0x32: {  	[spmem:s3] =	stream.indirect.scatter.add.f32 [tilespmem:s14], [sflag:$0x3], $0x80, s18, s13, $0xb8;
	[tilespmem:$0x1EB80] =	vst v63  }
0x33: {  	v2 =	vld [tilespmem:$0x14000];
	_ =	sdelay $0x7  }
0x34: {  	[tilespmem:v2+s19+$0x0] =	vst.idx.add.f32.msk $0xffff, v1  }
0x35: {  	v2 =	vld [tilespmem:$0x14010];
	_ =	sdelay $0x7  }
0x36: {  	[tilespmem:v2+s19+$0x0] =	vst.idx.add.f32.msk $0xffff, v1  }
0x37: {  	v2 =	vld [tilespmem:$0x14020];
	_ =	sdelay $0x7  }
0x38: {  	[tilespmem:v2+s19+$0x0] =	vst.idx.add.f32.msk $0xffff, v1  }
0x39: {  	v2 =	vld [tilespmem:$0x14030];
	_ =	sdelay $0x7  }
0x3a: {  	[tilespmem:v2+s19+$0x0] =	vst.idx.add.f32.msk $0xffff, v1  }
0x3b: {  	v2 =	vld [tilespmem:$0x14040];
	_ =	sdelay $0x7  }
0x3c: {  	[tilespmem:v2+s19+$0x0] =	vst.idx.add.f32.msk $0xffff, v1  }
0x3d: {  	v2 =	vld [tilespmem:$0x14050];
	_ =	sdelay $0x7  }
0x3e: {  	[tilespmem:v2+s19+$0x0] =	vst.idx.add.f32.msk $0xffff, v1  }
0x3f: {  	v2 =	vld [tilespmem:$0x14060];
	_ =	sdelay $0x7  }
0x40: {  	[tilespmem:v2+s19+$0x0] =	vst.idx.add.f32.msk $0xffff, v1  }
0x41: {  	v2 =	vld [tilespmem:$0x1406D];
	_ =	sdelay $0x7  }
0x42: {  	[tilespmem:v2+s19+$0x0] =	vst.idx.add.f32.msk vm0, v1  }
0x43: {  	_ =	swait.ge [sflag:s20], $0x3E80  }
0x44: {  	[sflag:s20] =	ssyncset.done $0x0  }
0x45: {  	[sflag:s20] =	ssyncadd.s32 $0xFFFFC180  }
0x46: {  	[tilespmem:s14], [sflag:$0x1] =	stream.indirect.gather [hbm4b:s1+s13], $0x80, s21, s13, $0xb8;
	[tilespmem:$0x1EB80] =	vst v63  }
0x47: {  	_ =	swait.ge [sflag:s22], $0x3E80  }
0x48: {  	[sflag:s22] =	ssyncset.done $0x0  }
0x49: {  	[sflag:s22] =	ssyncadd.s32 $0xFFFFC180  }
0x4a: {  	[spmem:s3] =	stream.indirect.scatter.add.f32 [tilespmem:s16], [sflag:$0x4], $0x80, s23, s13, $0xb8;
	[tilespmem:$0x1EB80] =	vst v63  }
0x4b: {  	v2 =	vld [tilespmem:$0x14080];
	_ =	sdelay $0x7  }
0x4c: {  	[tilespmem:v2+s19+$0x0] =	vst.idx.add.f32.msk $0xffff, v1  }
0x4d: {  	v2 =	vld [tilespmem:$0x14090];
	_ =	sdelay $0x7  }
0x4e: {  	[tilespmem:v2+s19+$0x0] =	vst.idx.add.f32.msk $0xffff, v1  }
0x4f: {  	v2 =	vld [tilespmem:$0x140A0];
	_ =	sdelay $0x7  }
0x50: {  	[tilespmem:v2+s19+$0x0] =	vst.idx.add.f32.msk $0xffff, v1  }
0x51: {  	v2 =	vld [tilespmem:$0x140B0];
	_ =	sdelay $0x7  }
0x52: {  	[tilespmem:v2+s19+$0x0] =	vst.idx.add.f32.msk $0xffff, v1  }
0x53: {  	v2 =	vld [tilespmem:$0x140C0];
	_ =	sdelay $0x7  }
0x54: {  	[tilespmem:v2+s19+$0x0] =	vst.idx.add.f32.msk $0xffff, v1  }
0x55: {  	v2 =	vld [tilespmem:$0x140D0];
	_ =	sdelay $0x7  }
0x56: {  	[tilespmem:v2+s19+$0x0] =	vst.idx.add.f32.msk $0xffff, v1  }
0x57: {  	v2 =	vld [tilespmem:$0x140E0];
	_ =	sdelay $0x7  }
0x58: {  	[tilespmem:v2+s19+$0x0] =	vst.idx.add.f32.msk $0xffff, v1  }
0x59: {  	v2 =	vld [tilespmem:$0x140ED];
	_ =	sdelay $0x7  }
0x5a: {  	[tilespmem:v2+s19+$0x0] =	vst.idx.add.f32.msk vm0, v1  }
0x5b: {  	_ =	swait.ge [sflag:s24], $0x3E80  }
0x5c: {  	[sflag:s24] =	ssyncset.done $0x0  }
0x5d: {  	[sflag:s24] =	ssyncadd.s32 $0xFFFFC180  }
0x5e: {  	[tilespmem:s16], [sflag:$0x2] =	stream.indirect.gather [hbm4b:s1+s13], $0x80, s25, s13, $0xb8;
	[tilespmem:$0x1EB80] =	vst v63  }
0x5f: {  	_ =	swait.ge [sflag:s17], $0x3E80  }
0x60: {  	[sflag:s17] =	ssyncset.done $0x0  }
0x61: {  	[sflag:s17] =	ssyncadd.s32 $0xFFFFC180  }
0x62: {  	[spmem:s3] =	stream.indirect.scatter.add.f32 [tilespmem:s14], [sflag:$0x3], $0x80, s26, s13, $0xb8;
	[tilespmem:$0x1EB80] =	vst v63  }
0x63: {  	v2 =	vld [tilespmem:$0x14100];
	_ =	sdelay $0x7  }
0x64: {  	[tilespmem:v2+s19+$0x0] =	vst.idx.add.f32.msk $0xffff, v1  }
0x65: {  	v2 =	vld [tilespmem:$0x14110];
	_ =	sdelay $0x7  }
0x66: {  	[tilespmem:v2+s19+$0x0] =	vst.idx.add.f32.msk $0xffff, v1  }
0x67: {  	v2 =	vld [tilespmem:$0x14120];
	_ =	sdelay $0x7  }
0x68: {  	[tilespmem:v2+s19+$0x0] =	vst.idx.add.f32.msk $0xffff, v1  }
0x69: {  	v2 =	vld [tilespmem:$0x14130];
	_ =	sdelay $0x7  }
0x6a: {  	[tilespmem:v2+s19+$0x0] =	vst.idx.add.f32.msk $0xffff, v1  }
0x6b: {  	v2 =	vld [tilespmem:$0x14140];
	_ =	sdelay $0x7  }
0x6c: {  	[tilespmem:v2+s19+$0x0] =	vst.idx.add.f32.msk $0xffff, v1  }
0x6d: {  	v2 =	vld [tilespmem:$0x14150];
	_ =	sdelay $0x7  }
0x6e: {  	[tilespmem:v2+s19+$0x0] =	vst.idx.add.f32.msk $0xffff, v1  }
0x6f: {  	v2 =	vld [tilespmem:$0x14160];
	_ =	sdelay $0x7  }
0x70: {  	[tilespmem:v2+s19+$0x0] =	vst.idx.add.f32.msk $0xffff, v1  }
0x71: {  	v2 =	vld [tilespmem:$0x1416D];
	_ =	sdelay $0x7  }
0x72: {  	[tilespmem:v2+s19+$0x0] =	vst.idx.add.f32.msk vm0, v1  }
0x73: {  	_ =	swait.ge [sflag:s20], $0x3E80  }
0x74: {  	[sflag:s20] =	ssyncset.done $0x0  }
0x75: {  	[sflag:s20] =	ssyncadd.s32 $0xFFFFC180  }
0x76: {  	[tilespmem:s14], [sflag:$0x1] =	stream.indirect.gather [hbm4b:s1+s13], $0x80, s28, s13, $0xb8;
	[tilespmem:$0x1EB80] =	vst v63  }
0x77: {  	_ =	swait.ge [sflag:s22], $0x3E80  }
0x78: {  	[sflag:s22] =	ssyncset.done $0x0  }
0x79: {  	[sflag:s22] =	ssyncadd.s32 $0xFFFFC180  }
0x7a: {  	[spmem:s3] =	stream.indirect.scatter.add.f32 [tilespmem:s16], [sflag:$0x4], $0x80, s29, s13, $0xb8;
	[tilespmem:$0x1EB80] =	vst v63  }
0x7b: {  	v2 =	vld [tilespmem:$0x14180];
	_ =	sdelay $0x7  }
0x7c: {  	[tilespmem:v2+s19+$0x0] =	vst.idx.add.f32.msk $0xffff, v1  }
0x7d: {  	v2 =	vld [tilespmem:$0x14190];
	_ =	sdelay $0x7  }
0x7e: {  	[tilespmem:v2+s19+$0x0] =	vst.idx.add.f32.msk $0xffff, v1  }
0x7f: {  	v2 =	vld [tilespmem:$0x141A0];
	_ =	sdelay $0x7  }
0x80: {  	[tilespmem:v2+s19+$0x0] =	vst.idx.add.f32.msk $0xffff, v1  }
0x81: {  	v2 =	vld [tilespmem:$0x141B0];
	_ =	sdelay $0x7  }
0x82: {  	[tilespmem:v2+s19+$0x0] =	vst.idx.add.f32.msk $0xffff, v1  }
0x83: {  	v2 =	vld [tilespmem:$0x141C0];
	_ =	sdelay $0x7  }
0x84: {  	[tilespmem:v2+s19+$0x0] =	vst.idx.add.f32.msk $0xffff, v1  }
0x85: {  	v2 =	vld [tilespmem:$0x141D0];
	_ =	sdelay $0x7  }
0x86: {  	[tilespmem:v2+s19+$0x0] =	vst.idx.add.f32.msk $0xffff, v1  }
0x87: {  	v2 =	vld [tilespmem:$0x141E0];
	_ =	sdelay $0x7  }
0x88: {  	[tilespmem:v2+s19+$0x0] =	vst.idx.add.f32.msk $0xffff, v1  }
0x89: {  	v2 =	vld [tilespmem:$0x141ED];
	_ =	sdelay $0x7  }
0x8a: {  	[tilespmem:v2+s19+$0x0] =	vst.idx.add.f32.msk vm0, v1  }
0x8b: {  	_ =	swait.ge [sflag:s24], $0x3E80  }
0x8c: {  	[sflag:s24] =	ssyncset.done $0x0  }
0x8d: {  	[sflag:s24] =	ssyncadd.s32 $0xFFFFC180  }
0x8e: {  	[tilespmem:s16], [sflag:$0x2] =	stream.indirect.gather [hbm4b:s1+s13], $0x80, s30, s13, $0xb8;
	[tilespmem:$0x1EB80] =	vst v63  }
0x8f: {  	_ =	swait.ge [sflag:s17], $0x3E80  }
0x90: {  	[sflag:s17] =	ssyncset.done $0x0  }
0x91: {  	[sflag:s17] =	ssyncadd.s32 $0xFFFFC180  }
0x92: {  	[spmem:s3] =	stream.indirect.scatter.add.f32 [tilespmem:s14], [sflag:$0x3], $0x80, s31, s13, $0xb8;
	[tilespmem:$0x1EB80] =	vst v63  }
0x93: {  	v2 =	vld [tilespmem:$0x14200];
	_ =	sdelay $0x7  }
0x94: {  	[tilespmem:v2+s19+$0x0] =	vst.idx.add.f32.msk $0xffff, v1  }
0x95: {  	v2 =	vld [tilespmem:$0x14210];
	_ =	sdelay $0x7  }
0x96: {  	[tilespmem:v2+s19+$0x0] =	vst.idx.add.f32.msk $0xffff, v1  }
0x97: {  	v2 =	vld [tilespmem:$0x14220];
	_ =	sdelay $0x7  }
0x98: {  	[tilespmem:v2+s19+$0x0] =	vst.idx.add.f32.msk $0xffff, v1  }
0x99: {  	v2 =	vld [tilespmem:$0x14230];
	_ =	sdelay $0x7  }
0x9a: {  	[tilespmem:v2+s19+$0x0] =	vst.idx.add.f32.msk $0xffff, v1  }
0x9b: {  	v2 =	vld [tilespmem:$0x14240];
	_ =	sdelay $0x7  }
0x9c: {  	[tilespmem:v2+s19+$0x0] =	vst.idx.add.f32.msk $0xffff, v1  }
0x9d: {  	v2 =	vld [tilespmem:$0x14250];
	_ =	sdelay $0x7  }
0x9e: {  	[tilespmem:v2+s19+$0x0] =	vst.idx.add.f32.msk $0xffff, v1  }
0x9f: {  	v2 =	vld [tilespmem:$0x14260];
	_ =	sdelay $0x7  }
0xa0: {  	[tilespmem:v2+s19+$0x0] =	vst.idx.add.f32.msk $0xffff, v1  }
0xa1: {  	v2 =	vld [tilespmem:$0x1426D];
	_ =	sdelay $0x7  }
0xa2: {  	[tilespmem:v2+s19+$0x0] =	vst.idx.add.f32.msk vm0, v1  }
0xa3: {  	_ =	swait.ge [sflag:s20], $0x3E80  }
0xa4: {  	[sflag:s20] =	ssyncset.done $0x0  }
0xa5: {  	[sflag:s20] =	ssyncadd.s32 $0xFFFFC180  }
0xa6: {  	[tilespmem:s14], [sflag:$0x1] =	stream.indirect.gather [hbm4b:s1+s13], $0x80, s0, s13, $0xb8;
	[tilespmem:$0x1EB80] =	vst v63  }
0xa7: {  	_ =	swait.ge [sflag:s22], $0x3E80  }
0xa8: {  	[sflag:s22] =	ssyncset.done $0x0  }
0xa9: {  	[sflag:s22] =	ssyncadd.s32 $0xFFFFC180  }
0xaa: {  	[spmem:s3] =	stream.indirect.scatter.add.f32 [tilespmem:s16], [sflag:$0x4], $0x80, s2, s13, $0xb8;
	[tilespmem:$0x1EB80] =	vst v63  }
0xab: {  	v2 =	vld [tilespmem:$0x14280];
	_ =	sdelay $0x7  }
0xac: {  	[tilespmem:v2+s19+$0x0] =	vst.idx.add.f32.msk $0xffff, v1  }
0xad: {  	v2 =	vld [tilespmem:$0x14290];
	_ =	sdelay $0x7  }
0xae: {  	[tilespmem:v2+s19+$0x0] =	vst.idx.add.f32.msk $0xffff, v1  }
0xaf: {  	v2 =	vld [tilespmem:$0x142A0];
	_ =	sdelay $0x7  }
0xb0: {  	[tilespmem:v2+s19+$0x0] =	vst.idx.add.f32.msk $0xffff, v1  }
0xb1: {  	v2 =	vld [tilespmem:$0x142B0];
	_ =	sdelay $0x7  }
0xb2: {  	[tilespmem:v2+s19+$0x0] =	vst.idx.add.f32.msk $0xffff, v1  }
0xb3: {  	v2 =	vld [tilespmem:$0x142C0];
	_ =	sdelay $0x7  }
0xb4: {  	[tilespmem:v2+s19+$0x0] =	vst.idx.add.f32.msk $0xffff, v1  }
0xb5: {  	v2 =	vld [tilespmem:$0x142D0];
	_ =	sdelay $0x7  }
0xb6: {  	[tilespmem:v2+s19+$0x0] =	vst.idx.add.f32.msk $0xffff, v1  }
0xb7: {  	v2 =	vld [tilespmem:$0x142E0];
	_ =	sdelay $0x7  }
0xb8: {  	[tilespmem:v2+s19+$0x0] =	vst.idx.add.f32.msk $0xffff, v1  }
0xb9: {  	v2 =	vld [tilespmem:$0x142ED];
	_ =	sdelay $0x7  }
0xba: {  	[tilespmem:v2+s19+$0x0] =	vst.idx.add.f32.msk vm0, v1  }
0xbb: {  	_ =	swait.ge [sflag:s24], $0x3E80  }
0xbc: {  	[sflag:s24] =	ssyncset.done $0x0  }
0xbd: {  	[sflag:s24] =	ssyncadd.s32 $0xFFFFC180  }
0xbe: {  	[tilespmem:s16], [sflag:$0x2] =	stream.indirect.gather [hbm4b:s1+s13], $0x80, s5, s13, $0xb8;
	[tilespmem:$0x1EB80] =	vst v63  }
0xbf: {  	_ =	swait.ge [sflag:s17], $0x3E80  }
0xc0: {  	[sflag:s17] =	ssyncset.done $0x0  }
0xc1: {  	[sflag:s17] =	ssyncadd.s32 $0xFFFFC180  }
0xc2: {  	[spmem:s3] =	stream.indirect.scatter.add.f32 [tilespmem:s14], [sflag:$0x3], $0x80, s7, s13, $0xb8;
	[tilespmem:$0x1EB80] =	vst v63  }
0xc3: {  	v2 =	vld [tilespmem:$0x14300];
	_ =	sdelay $0x7  }
0xc4: {  	[tilespmem:v2+s19+$0x0] =	vst.idx.add.f32.msk $0xffff, v1  }
0xc5: {  	v2 =	vld [tilespmem:$0x14310];
	_ =	sdelay $0x7  }
0xc6: {  	[tilespmem:v2+s19+$0x0] =	vst.idx.add.f32.msk $0xffff, v1  }
0xc7: {  	v2 =	vld [tilespmem:$0x14320];
	_ =	sdelay $0x7  }
0xc8: {  	[tilespmem:v2+s19+$0x0] =	vst.idx.add.f32.msk $0xffff, v1  }
0xc9: {  	v2 =	vld [tilespmem:$0x14330];
	_ =	sdelay $0x7  }
0xca: {  	[tilespmem:v2+s19+$0x0] =	vst.idx.add.f32.msk $0xffff, v1  }
0xcb: {  	v2 =	vld [tilespmem:$0x14340];
	_ =	sdelay $0x7  }
0xcc: {  	[tilespmem:v2+s19+$0x0] =	vst.idx.add.f32.msk $0xffff, v1  }
0xcd: {  	v2 =	vld [tilespmem:$0x14350];
	_ =	sdelay $0x7  }
0xce: {  	[tilespmem:v2+s19+$0x0] =	vst.idx.add.f32.msk $0xffff, v1  }
0xcf: {  	v2 =	vld [tilespmem:$0x14360];
	_ =	sdelay $0x7  }
0xd0: {  	[tilespmem:v2+s19+$0x0] =	vst.idx.add.f32.msk $0xffff, v1  }
0xd1: {  	v2 =	vld [tilespmem:$0x1436D];
	_ =	sdelay $0x7  }
0xd2: {  	[tilespmem:v2+s19+$0x0] =	vst.idx.add.f32.msk vm0, v1  }
0xd3: {  	_ =	swait.ge [sflag:s22], $0x3E80  }
0xd4: {  	[sflag:s22] =	ssyncset.done $0x0  }
0xd5: {  	[sflag:s22] =	ssyncadd.s32 $0xFFFFC180  }
0xd6: {  	[spmem:s3] =	stream.indirect.scatter.add.f32 [tilespmem:s16], [sflag:$0x4], $0x80, s8, s13, $0xb8;
	[tilespmem:$0x1EB80] =	vst v63  }
0xd7: {  	v2 =	vld [tilespmem:$0x14380];
	_ =	sdelay $0x7  }
0xd8: {  	[tilespmem:v2+s19+$0x0] =	vst.idx.add.f32.msk $0xffff, v1  }
0xd9: {  	v2 =	vld [tilespmem:$0x14390];
	_ =	sdelay $0x7  }
0xda: {  	[tilespmem:v2+s19+$0x0] =	vst.idx.add.f32.msk $0xffff, v1  }
0xdb: {  	v2 =	vld [tilespmem:$0x143A0];
	_ =	sdelay $0x7  }
0xdc: {  	[tilespmem:v2+s19+$0x0] =	vst.idx.add.f32.msk $0xffff, v1  }
0xdd: {  	v2 =	vld [tilespmem:$0x143B0];
	_ =	sdelay $0x7  }
0xde: {  	[tilespmem:v2+s19+$0x0] =	vst.idx.add.f32.msk $0xffff, v1  }
0xdf: {  	v2 =	vld [tilespmem:$0x143C0];
	_ =	sdelay $0x7  }
0xe0: {  	[tilespmem:v2+s19+$0x0] =	vst.idx.add.f32.msk $0xffff, v1  }
0xe1: {  	v2 =	vld [tilespmem:$0x143D0];
	_ =	sdelay $0x7  }
0xe2: {  	[tilespmem:v2+s19+$0x0] =	vst.idx.add.f32.msk $0xffff, v1  }
0xe3: {  	v2 =	vld [tilespmem:$0x143E0];
	_ =	sdelay $0x7  }
0xe4: {  	[tilespmem:v2+s19+$0x0] =	vst.idx.add.f32.msk $0xffff, v1  }
0xe5: {  	v2 =	vld [tilespmem:$0x143ED];
	_ =	sdelay $0x7  }
0xe6: {  	[tilespmem:v2+s19+$0x0] =	vst.idx.add.f32.msk vm0, v1  }
0xe7: {  	p0 =	sne.s32 s6, $0x900;
	_ =	swait.ge [sflag:s20], $0x3E80  }
.Ltmp1:
0xe8: {  	[sflag:s20] =	ssyncset.done $0x0;
	(pc) =	sbr.rel @p0 .LBB2_4-.Ltmp1, $4  }
0xe9: {  	[sflag:s20] =	ssyncadd.s32 $0xFFFFC180  }
0xea: {  	_ =	swait.ge [sflag:s24], $0x3E80  }
0xeb: {  	[sflag:s24] =	ssyncset.done $0x0  }
0xec: {  	s6 =	sadd.s32 $0x100, s6;
	[sflag:s24] =	ssyncadd.s32 $0xFFFFC180  }
0xed: {  	[bflag:$0x0] =	sbarrier.arrive $0xFFFF  }
0xee: {  	s10 =	rddreg [dreg:$0x7]  }
0xef: {  	s6 =	rddreg [dreg:$0x8]  }
0xf0: {  	s9 =	rddreg [dreg:$0xb]  }
0xf1: {  	[hbm:s6], [sflag:s10] =	dma.local [spmem:s9], $0x2780  }
0xf2: {  	_ =	swait.ge [sflag:s11], $0x2780  }
0xf3: {  	[sflag:s11] =	ssyncset.done $0x0  }
0xf4: {  	s6 =	rddreg [dreg:$0x9];
	[sflag:s11] =	ssyncadd.s32 $0xFFFFD880  }
0xf5: {  	[hbm4b:s6+s4] =	stream.linear.scatter [tilespmem:s19], [sflag:$0x5], $0x2780, $0x38;
	[tilespmem:$0x1EB80] =	vst v63  }
0xf6: {  	_ =	swait.ge [sflag:s11], $0x2780  }
0xf7: {  	s6 =	rddreg [dreg:$0xc]  }
0xf8: {  	s4 =	sadd.s32 $0x1, s6;
	s6 =	rddreg [dreg:$0xa]  }
0xf9: {  	p0 =	sne.s32 s4, s6  }
.Ltmp2:
0xfa: {  	_ = 	snop;
	(pc) =	sbr.rel @p0 .LBB2_1-.Ltmp2, $3  }
0xfb: {  	_ =	sdelay $0x1  }
0xfc: {  	[sflag:s11] =	ssyncset.done $0x0  }
0xfd: {  	[sflag:s11] =	ssyncadd.s32 $0xFFFFD880;
	[dreg:$0xc] =	wrdreg s4  }
0xfe: {  	_ =	sfence.sel $0x180000  }
0xff: {  	[bflag:$0x0] =	sbarrier.arrive $0xFFFF  }
0x100: {  	_ =	strace $0x90000047  }
0x101: {  	s0 =	stileid.u32;
	[bflag:$0x2] =	sbarrier.arrive $0xFFFF  }
0x102: {  	p0 =	sne.s32 s0, $0x0;
	s0 =	rddreg [dreg:$0x4]  }
0x103: {  	s0 =	sadd.s32 @!p0 $0x100000, s0  }
0x104: {  	[sflag:s0] =	ssyncadd.tile.s32 @!p0 $0x1;
	_ =	shalt  }
.Lfunc_end2:
_tile_overlayer_lowered:
.L_overlay_start_2:
0x105: {  	(tag) =	ssettag $0x2  }
0x106: {  	s0 =	rddreg [dreg:$0x0];
	s2 =	stileid.u32  }
0x107: {  	s1 =	rddreg [dreg:$0x1];
	p0 =	sne.s32 s2, $0x0  }
0x108: {  	s3 =	rddreg [dreg:$0x2];
	[bflag:$0x3] =	sbarrier.arrive $0xFFFF;
	s2 =	simm.s32 @!p0 $0x1C05  }
0x109: {  	[timem:s3], [sflag:s2] =	dma.local @!p0 [hbm:s0], s1  }
0x10a: {  	s0 =	simm.s32 @!p0 $0x5  }
0x10b: {  	_ =	swait.ge @!p0 [sflag:s0], s1  }
0x10c: {  	s1 =	ssub.s32 @!p0 $0x0, s1;
	[sflag:s0] =	ssyncset.done @!p0 $0x0  }
0x10d: {  	[sflag:s0] =	ssyncadd.s32 @!p0 s1  }
0x10e: {  	[bflag:$0x3] =	sbarrier.arrive $0xFFFF  }
0x10f: {  	_ =	shalt  }

</sc_bundles>
